<compile_context>
chip_gen: v7x
topology: tpu7x:2x2x1
jax: 0.10.2.dev20260603
libtpu: 0.0.44.dev20260713+nightly
codegen_flags: <defaults>
</compile_context>

<pallas_src>
import jax
import jax.numpy as jnp
from jax import lax
from jax.experimental import pallas as pl
from jax.experimental.pallas import tpu as pltpu
from jax.experimental.pallas import tpu_sc as plsc

_N = 8 * 512 * 512
_PLANE = 512 * 512
_BIG = 2**30
_BIGF = float(_BIG)

_NB_SC = 2
_NS = _NB_SC * _PLANE
_NW = 32
_WPB = _NW // _NB_SC
_CHUNK = _PLANE // _WPB
_P = min(16384, _CHUNK)
_NPIECE = _CHUNK // _P
_STEPS = _P // 16

_NB_TC = 8 - _NB_SC
_TC_RBLK = 512
_TC_RG = 512 // _TC_RBLK


def _sc_body(outf_hbm, tg_hbm, out_hbm,
             x0a, x1a, tga, x0b, x1b, tgb,
             a1p, a2p, a1n, a2n,
             mref, s0pr, s0nr, s1pr, s1nr, cntr, stage,
             s0s, s1s, s2s, s3s, s4s, s5s, ssm, fsm):
    wid = lax.axis_index("s") * 2 + lax.axis_index("c")
    x0_off = (wid // _WPB) * (2 * _PLANE) + (wid % _WPB) * _CHUNK
    x1_off = x0_off + _PLANE
    tg_off = wid * _CHUNK
    lane = jnp.arange(16, dtype=jnp.int32)
    zf16 = jnp.zeros((16,), jnp.float32)
    one16 = jnp.ones((16,), jnp.int32)
    zi16 = jnp.zeros((16,), jnp.int32)
    big16 = jnp.full((16,), _BIG, jnp.int32)
    neginf16 = jnp.full((16,), -jnp.inf, jnp.float32)

    mref[...] = neginf16
    s0pr[...] = zf16
    s0nr[...] = zf16
    s1pr[...] = zf16
    s1nr[...] = zf16
    cntr[...] = zi16
    a1p[...] = big16
    a2p[...] = big16
    a1n[...] = big16
    a2n[...] = big16
    for i in range(4):
        ssm[i] = jnp.int32(_BIG)
    for i in range(10):
        fsm[i] = jnp.float32(0.0)

    bufs = ((x0a, x1a, tga), (x0b, x1b, tgb))
    sems = ((s0s, s1s, s2s), (s3s, s4s, s5s))

    def issue(p):
        b = bufs[p % 2]
        sm = sems[p % 2]
        return (
            pltpu.async_copy(outf_hbm.at[pl.ds(x0_off + p * _P, _P)], b[0], sm[0]),
            pltpu.async_copy(outf_hbm.at[pl.ds(x1_off + p * _P, _P)], b[1], sm[1]),
            pltpu.async_copy(tg_hbm.at[pl.ds(tg_off + p * _P, _P)], b[2], sm[2]),
        )

    def compute(p, x0v, x1v, tgv):
        pb = tg_off + p * _P

        if p == 0:
            sel0 = lane == 0
            fsm[8] = jnp.sum(jnp.where(sel0, x0v[pl.ds(0, 16)], zf16))
            fsm[9] = jnp.sum(jnp.where(sel0, x1v[pl.ds(0, 16)], zf16))

        def p1(i, pm):
            o = i * 16
            return jnp.maximum(pm, jnp.maximum(x0v[pl.ds(o, 16)],
                                               x1v[pl.ds(o, 16)]))
        pm = lax.fori_loop(0, _STEPS, p1, neginf16)
        mold = mref[...]
        mnew = jnp.maximum(mold, jnp.full((16,), jnp.max(pm), jnp.float32))
        scale = jnp.exp(mold - mnew)
        mref[...] = mnew

        def p2(i, c):
            s0p, s0n, s1p, s1n, cnt = c
            o = i * 16
            xv0 = x0v[pl.ds(o, 16)]
            xv1 = x1v[pl.ds(o, 16)]
            m = tgv[pl.ds(o, 16)] == 1
            e0 = jnp.exp(xv0 - mnew)
            e1 = jnp.exp(xv1 - mnew)
            s0p = s0p + jnp.where(m, e0, zf16)
            s0n = s0n + jnp.where(m, zf16, e0)
            s1p = s1p + jnp.where(m, e1, zf16)
            s1n = s1n + jnp.where(m, zf16, e1)
            cnt = cnt + jnp.where(m, one16, zi16)
            return s0p, s0n, s1p, s1n, cnt
        init = (s0pr[...] * scale, s0nr[...] * scale,
                s1pr[...] * scale, s1nr[...] * scale, cntr[...])
        s0p, s0n, s1p, s1n, cnt = lax.fori_loop(0, _STEPS, p2, init)
        s0pr[...] = s0p
        s0nr[...] = s0n
        s1pr[...] = s1p
        s1nr[...] = s1n
        cntr[...] = cnt

        need = (ssm[1] >= _BIG) | (ssm[3] >= _BIG)

        @pl.when(need)
        def _scan():
            def ps(i, c):
                b1p, b2p, b1n, b2n = c
                o = i * 16
                m = tgv[pl.ds(o, 16)] == 1
                idxv = (pb + o) + lane
                cp = jnp.where(m, idxv, big16)
                cn = jnp.where(m, big16, idxv)
                tp = jnp.maximum(b1p, cp)
                b1p = jnp.minimum(b1p, cp)
                b2p = jnp.minimum(b2p, tp)
                tn = jnp.maximum(b1n, cn)
                b1n = jnp.minimum(b1n, cn)
                b2n = jnp.minimum(b2n, tn)
                return b1p, b2p, b1n, b2n
            b1p, b2p, b1n, b2n = lax.fori_loop(
                0, _STEPS, ps, (a1p[...], a2p[...], a1n[...], a2n[...]))
            a1p[...] = b1p
            a2p[...] = b2p
            a1n[...] = b1n
            a2n[...] = b2n

            def resolve(A1, A2, slot1, slot2, vbase):
                n1 = jnp.min(A1)
                sec = jnp.min(jnp.where(A1 == jnp.full((16,), n1, jnp.int32),
                                        big16, A1))
                n2 = jnp.minimum(sec, jnp.min(A2))
                for slot, cand, voff in ((slot1, n1, 0), (slot2, n2, 2)):
                    old = ssm[slot]
                    take = (old >= _BIG) & (cand < _BIG)
                    lc = jnp.clip(cand - pb, 0, _P - 1)
                    al = (lc // 16) * 16
                    sel = lane == (lc - al)
                    v0 = jnp.sum(jnp.where(sel, x0v[pl.ds(al, 16)], zf16))
                    v1 = jnp.sum(jnp.where(sel, x1v[pl.ds(al, 16)], zf16))
                    ssm[slot] = jnp.where(take, cand, old)
                    fsm[vbase + voff] = jnp.where(
                        take, v0, fsm[vbase + voff])
                    fsm[vbase + voff + 1] = jnp.where(
                        take, v1, fsm[vbase + voff + 1])
            resolve(b1p, b2p, 0, 1, 0)
            resolve(b1n, b2n, 2, 3, 4)

    pending = {0: issue(0)}
    for p in range(_NPIECE):
        if p + 1 < _NPIECE:
            pending[p + 1] = issue(p + 1)
        for cp in pending.pop(p):
            cp.wait()
        compute(p, *bufs[p % 2])

    def ins(acc, k, val):
        return jnp.where(lane == k, jnp.full((16,), val, jnp.float32), acc)

    row_a = zf16
    row_a = ins(row_a, 0, jnp.max(mref[...]))
    row_a = ins(row_a, 1, jnp.sum(s0pr[...]))
    row_a = ins(row_a, 2, jnp.sum(s0nr[...]))
    row_a = ins(row_a, 3, jnp.sum(s1pr[...]))
    row_a = ins(row_a, 4, jnp.sum(s1nr[...]))
    row_a = ins(row_a, 5, jnp.sum(cntr[...]).astype(jnp.float32))
    row_a = ins(row_a, 8, ssm[0].astype(jnp.float32))
    row_a = ins(row_a, 9, ssm[1].astype(jnp.float32))
    row_a = ins(row_a, 10, ssm[2].astype(jnp.float32))
    row_a = ins(row_a, 11, ssm[3].astype(jnp.float32))
    row_b = zf16
    for k in range(10):
        row_b = ins(row_b, k, fsm[k])
    stage[pl.ds(0, 16)] = row_a
    stage[pl.ds(16, 16)] = row_b
    pltpu.sync_copy(stage, out_hbm.at[pl.ds(wid * 32, 32)])


@jax.jit
def _sc_partials(outf, tg):
    mesh = plsc.VectorSubcoreMesh(core_axis_name="c", subcore_axis_name="s",
                                  num_cores=2, num_subcores=16)
    f = pl.kernel(
        _sc_body,
        out_type=jax.ShapeDtypeStruct((_NW * 32,), jnp.float32),
        mesh=mesh,
        compiler_params=pltpu.CompilerParams(needs_layout_passes=False),
        scratch_types=[
            pltpu.VMEM((_P,), jnp.float32),
            pltpu.VMEM((_P,), jnp.float32),
            pltpu.VMEM((_P,), jnp.int32),
            pltpu.VMEM((_P,), jnp.float32),
            pltpu.VMEM((_P,), jnp.float32),
            pltpu.VMEM((_P,), jnp.int32),
            pltpu.VMEM((16,), jnp.int32),
            pltpu.VMEM((16,), jnp.int32),
            pltpu.VMEM((16,), jnp.int32),
            pltpu.VMEM((16,), jnp.int32),
            pltpu.VMEM((16,), jnp.float32),
            pltpu.VMEM((16,), jnp.float32),
            pltpu.VMEM((16,), jnp.float32),
            pltpu.VMEM((16,), jnp.float32),
            pltpu.VMEM((16,), jnp.float32),
            pltpu.VMEM((16,), jnp.int32),
            pltpu.VMEM((32,), jnp.float32),
            pltpu.SemaphoreType.DMA,
            pltpu.SemaphoreType.DMA,
            pltpu.SemaphoreType.DMA,
            pltpu.SemaphoreType.DMA,
            pltpu.SemaphoreType.DMA,
            pltpu.SemaphoreType.DMA,
            pltpu.SMEM((8,), jnp.int32),
            pltpu.SMEM((16,), jnp.float32),
        ],
    )
    return f(outf, tg)


def _tc_body(x0_ref, x1_ref, tg_ref, out_ref, fs, ist):
    b = pl.program_id(0)
    r = pl.program_id(1)

    @pl.when((b == 0) & (r == 0))
    def _init():
        fs[0] = jnp.float32(-jnp.inf)
        for i in range(1, 14):
            fs[i] = jnp.float32(0.0)
        ist[0] = jnp.int32(0)
        for i in range(1, 5):
            ist[i] = _BIG

    x0 = x0_ref[0, 0]
    x1 = x1_ref[0, 0]
    m = tg_ref[0] == 1
    zf = jnp.float32(0.0)

    m_old = fs[0]
    mn = jnp.maximum(m_old, jnp.maximum(jnp.max(x0), jnp.max(x1)))
    rsc = jnp.exp(m_old - mn)
    e0 = jnp.exp(x0 - mn)
    e1 = jnp.exp(x1 - mn)
    fs[0] = mn
    fs[1] = fs[1] * rsc + jnp.sum(jnp.where(m, e0, zf))
    fs[2] = fs[2] * rsc + jnp.sum(jnp.where(m, zf, e0))
    fs[3] = fs[3] * rsc + jnp.sum(jnp.where(m, e1, zf))
    fs[4] = fs[4] * rsc + jnp.sum(jnp.where(m, zf, e1))

    cnt_before = ist[0]
    ist[0] = cnt_before + jnp.sum(m.astype(jnp.int32))
    blk = _TC_RBLK * 512
    done_before = (b * _TC_RG + r) * blk

    def _track(mask, g1_i, g2_i, pbase, cnt_b):
        @pl.when(cnt_b < 2)
        def _():
            base = (_NB_SC + b) * _PLANE + r * blk
            ri = lax.broadcasted_iota(jnp.int32, (_TC_RBLK, 512), 0)
            ci = lax.broadcasted_iota(jnp.int32, (_TC_RBLK, 512), 1)
            gidx = base + ri * jnp.int32(512) + ci
            li = jnp.where(mask, gidx, _BIG)
            c1 = jnp.min(li)
            c2 = jnp.min(jnp.where(li == c1, _BIG, li))
            g1 = ist[g1_i]
            g2 = ist[g2_i]
            new_g2 = jnp.where(g1 < _BIG, c1, c2)
            sel1 = li == c1
            sel2 = li == new_g2
            v0c1 = jnp.sum(jnp.where(sel1, x0, zf))
            v1c1 = jnp.sum(jnp.where(sel1, x1, zf))
            v0g2 = jnp.sum(jnp.where(sel2, x0, zf))
            v1g2 = jnp.sum(jnp.where(sel2, x1, zf))
            take1 = (g1 >= _BIG) & (c1 < _BIG)
            take2 = (g2 >= _BIG) & (new_g2 < _BIG)
            ist[g1_i] = jnp.minimum(g1, c1)
            ist[g2_i] = jnp.where(take2, new_g2, g2)
            fs[pbase] = jnp.where(take1, v0c1, fs[pbase])
            fs[pbase + 1] = jnp.where(take1, v1c1, fs[pbase + 1])
            fs[pbase + 2] = jnp.where(take2, v0g2, fs[pbase + 2])
            fs[pbase + 3] = jnp.where(take2, v1g2, fs[pbase + 3])

    _track(m, 1, 2, 6, cnt_before)
    _track(jnp.logical_not(m), 3, 4, 10, done_before - cnt_before)

    @pl.when((b == _NB_TC - 1) & (r == _TC_RG - 1))
    def _emit():
        for i in range(32):
            out_ref[0, i] = zf
        out_ref[0, 0] = fs[0]
        out_ref[0, 1] = fs[1]
        out_ref[0, 2] = fs[2]
        out_ref[0, 3] = fs[3]
        out_ref[0, 4] = fs[4]
        out_ref[0, 5] = ist[0].astype(jnp.float32)
        out_ref[0, 8] = ist[1].astype(jnp.float32)
        out_ref[0, 9] = ist[2].astype(jnp.float32)
        out_ref[0, 10] = ist[3].astype(jnp.float32)
        out_ref[0, 11] = ist[4].astype(jnp.float32)
        for i in range(8):
            out_ref[0, 16 + i] = fs[6 + i]


@jax.jit
def _tc_partials(output, target):
    return pl.pallas_call(
        _tc_body,
        grid=(_NB_TC, _TC_RG),
        in_specs=[
            pl.BlockSpec((1, 1, _TC_RBLK, 512),
                         lambda b, r: (b + _NB_SC, 0, r, 0)),
            pl.BlockSpec((1, 1, _TC_RBLK, 512),
                         lambda b, r: (b + _NB_SC, 1, r, 0)),
            pl.BlockSpec((1, _TC_RBLK, 512),
                         lambda b, r: (b + _NB_SC, r, 0)),
        ],
        out_specs=pl.BlockSpec(memory_space=pltpu.SMEM),
        out_shape=jax.ShapeDtypeStruct((1, 32), jnp.float32),
        scratch_shapes=[
            pltpu.SMEM((16,), jnp.float32),
            pltpu.SMEM((8,), jnp.int32),
        ],
    )(output, output, target)


def _fin_body(prs, prt, out_ref):
    inf = jnp.float32(jnp.inf)
    zf = jnp.float32(0.0)

    def merge(g1, g2, v0, v1, c1, c2, c1v0, c1v1, c2v0, c2v1):
        new_g2 = jnp.where(g1 < _BIGF, c1, c2)
        take = (g2 >= _BIGF) & (new_g2 < _BIGF)
        pv0 = jnp.where(new_g2 == c1, c1v0, c2v0)
        pv1 = jnp.where(new_g2 == c1, c1v1, c2v1)
        g2 = jnp.where(take, new_g2, g2)
        v0 = jnp.where(take, pv0, v0)
        v1 = jnp.where(take, pv1, v1)
        g1 = jnp.minimum(g1, c1)
        return g1, g2, v0, v1

    def step(c, pr, w):
        (M, s0p, s0n, s1p, s1n, cnt,
         g1p, g2p, g1n, g2n, vp0, vp1, vn0, vn1) = c
        Mw = pr[w, 0]
        Mn = jnp.maximum(M, Mw)
        ro = jnp.exp(M - Mn)
        rw = jnp.exp(Mw - Mn)
        s0p = s0p * ro + pr[w, 1] * rw
        s0n = s0n * ro + pr[w, 2] * rw
        s1p = s1p * ro + pr[w, 3] * rw
        s1n = s1n * ro + pr[w, 4] * rw
        cnt = cnt + pr[w, 5]
        g1p, g2p, vp0, vp1 = merge(g1p, g2p, vp0, vp1,
                                   pr[w, 8], pr[w, 9],
                                   pr[w, 16], pr[w, 17],
                                   pr[w, 18], pr[w, 19])
        g1n, g2n, vn0, vn1 = merge(g1n, g2n, vn0, vn1,
                                   pr[w, 10], pr[w, 11],
                                   pr[w, 20], pr[w, 21],
                                   pr[w, 22], pr[w, 23])
        return (Mn, s0p, s0n, s1p, s1n, cnt,
                g1p, g2p, g1n, g2n, vp0, vp1, vn0, vn1)

    init = (-inf, zf, zf, zf, zf, zf,
            jnp.float32(_BIGF), jnp.float32(_BIGF),
            jnp.float32(_BIGF), jnp.float32(_BIGF), zf, zf, zf, zf)
    c = lax.fori_loop(0, _NW, lambda w, c: step(c, prs, w), init)
    (M, s0p, s0n, s1p, s1n, cnt,
     g1p, g2p, g1n, g2n, vp0, vp1, vn0, vn1) = step(c, prt, 0)

    lse0p = M + jnp.log(s0p)
    lse0n = M + jnp.log(s0n)
    lse1p = M + jnp.log(s1p)
    lse1n = M + jnp.log(s1n)
    x0f = prs[0, 24]
    x1f = prs[0, 25]
    vp0 = jnp.where(g2p < _BIGF, vp0, x0f)
    vp1 = jnp.where(g2p < _BIGF, vp1, x1f)
    vn0 = jnp.where(g2n < _BIGF, vn0, x0f)
    vn1 = jnp.where(g2n < _BIGF, vn1, x1f)
    pos_losses = 0.5 * ((lse0p - vp0) + (lse1p - vp1))
    neg0 = lse0n - vn0
    neg1 = lse1n - vn1
    k = jnp.minimum(6.0 * cnt, 2.0)
    hi = jnp.maximum(neg0, neg1)
    lo = jnp.minimum(neg0, neg1)
    s = jnp.where(k >= 1.0, hi, zf) + jnp.where(k >= 2.0, lo, zf)
    out_ref[0, 0] = (s / k + 3.0 * pos_losses) * 0.25


@jax.jit
def _fin(sc_rows, tc_row):
    return pl.pallas_call(
        _fin_body,
        in_specs=[pl.BlockSpec(memory_space=pltpu.SMEM),
                  pl.BlockSpec(memory_space=pltpu.SMEM)],
        out_specs=pl.BlockSpec(memory_space=pltpu.SMEM),
        out_shape=jax.ShapeDtypeStruct((1, 1), jnp.float32),
    )(sc_rows, tc_row)


def kernel(output, target):
    sc_rows = _sc_partials(output[:_NB_SC].reshape(-1),
                           target[:_NB_SC].reshape(-1)).reshape(_NW, 32)
    tc_row = _tc_partials(output, target)
    return _fin(sc_rows, tc_row)[0, 0]

# --- scband reference (transcript-rebuilt; emitter-appended) ---
"""Pipeline reference for scband-ceohem-88527865905347 (READ-ONLY COPY).

The authoritative reference and input builder live on the scoring server;
editing this copy changes nothing except your own understanding.
"""

import jax, jax.numpy as jnp
import numpy as np


def _ce_none(logits, targets):
    # nn.CrossEntropyLoss(reduction='none'): logits [N, C], targets [N] (never == ignore_index here)
    lse = jax.scipy.special.logsumexp(logits, axis=1)
    picked = jnp.take_along_axis(logits, targets[:, None].astype(jnp.int32), axis=1)[:, 0]
    return lse - picked


def setup_inputs(seed: int = 0) -> dict:
    key = jax.random.key(seed)
    k1, k2 = jax.random.split(key)
    output = jax.random.normal(k1, (8, 2, 512, 512), dtype=jnp.float32)
    target = jax.random.randint(k2, (8, 512, 512), 0, 2, dtype=jnp.int32)
    return {"output": output, "target": target}


def reference(output, target):
    ratio = 3
    tg = target.reshape(-1)
    pos_mask = tg == 1
    neg_mask = tg == 0

    x0 = output[:, 0, :, :].reshape(-1)
    x1 = output[:, 1, :, :].reshape(-1)

    def _masked_row_ce(x_row, mask):
        lse = jax.scipy.special.logsumexp(jnp.where(mask, x_row, -jnp.inf))
        cs = jnp.cumsum(mask.astype(jnp.int32))
        idx1 = jnp.argmax(mask & (cs == 2))
        return lse - x_row[idx1]

    # positive branch: stack -> [2, Npos]; target ones of length size(0)==2 (faithful to torch code)
    pos_ce = jnp.stack((_masked_row_ce(x0, pos_mask), _masked_row_ce(x1, pos_mask)))
    pos_losses = pos_ce.mean()

    # negative branch: stack -> [2, Nneg]
    neg_ce = jnp.stack((_masked_row_ce(x0, neg_mask), _masked_row_ce(x1, neg_mask)))
    neg_losses = jax.lax.stop_gradient(neg_ce)  # torch.no_grad()

    npos = jnp.sum(pos_mask.astype(jnp.int32))
    k = jnp.minimum(2 * npos * ratio, neg_losses.size)
    kk = neg_losses.shape[0]
    _, idxs = jax.lax.top_k(neg_losses, kk)
    ce_top = neg_ce[idxs]
    keep = jnp.arange(kk) < k
    neg_losses_topk = jnp.sum(jnp.where(keep, ce_top, 0.0)) / k.astype(jnp.float32)

    loss = (neg_losses_topk + 3.0 * pos_losses) / 4.0
    return loss

if __name__ == "__main__":
    import jax
    _d = setup_inputs()
    print(jax.jit(kernel)(*tuple(_d.values())))

</pallas_src>

<mosaic_0001>
#map = affine_map<(d0, d1) -> (0)>
module attributes {stable_mosaic.version = 14 : i64} {
  func.func @_sc_body(%arg0: i32, %arg1: i32, %arg2: memref<1048576xf32, #tpu.memory_space<hbm>>, %arg3: memref<524288xi32, #tpu.memory_space<hbm>>, %arg4: memref<1024xf32, #tpu.memory_space<hbm>>, %arg5: memref<16384xf32, #tpu.memory_space<vmem>>, %arg6: memref<16384xf32, #tpu.memory_space<vmem>>, %arg7: memref<16384xi32, #tpu.memory_space<vmem>>, %arg8: memref<16384xf32, #tpu.memory_space<vmem>>, %arg9: memref<16384xf32, #tpu.memory_space<vmem>>, %arg10: memref<16384xi32, #tpu.memory_space<vmem>>, %arg11: memref<16xi32, #tpu.memory_space<vmem>>, %arg12: memref<16xi32, #tpu.memory_space<vmem>>, %arg13: memref<16xi32, #tpu.memory_space<vmem>>, %arg14: memref<16xi32, #tpu.memory_space<vmem>>, %arg15: memref<16xf32, #tpu.memory_space<vmem>>, %arg16: memref<16xf32, #tpu.memory_space<vmem>>, %arg17: memref<16xf32, #tpu.memory_space<vmem>>, %arg18: memref<16xf32, #tpu.memory_space<vmem>>, %arg19: memref<16xf32, #tpu.memory_space<vmem>>, %arg20: memref<16xi32, #tpu.memory_space<vmem>>, %arg21: memref<32xf32, #tpu.memory_space<vmem>>, %arg22: memref<!tpu.dma_semaphore, #tpu.memory_space<semaphore_mem>>, %arg23: memref<!tpu.dma_semaphore, #tpu.memory_space<semaphore_mem>>, %arg24: memref<!tpu.dma_semaphore, #tpu.memory_space<semaphore_mem>>, %arg25: memref<!tpu.dma_semaphore, #tpu.memory_space<semaphore_mem>>, %arg26: memref<!tpu.dma_semaphore, #tpu.memory_space<semaphore_mem>>, %arg27: memref<!tpu.dma_semaphore, #tpu.memory_space<semaphore_mem>>, %arg28: memref<8xi32, #tpu.memory_space<smem>>, %arg29: memref<16xf32, #tpu.memory_space<smem>>) attributes {dimension_semantics = [#tpu.dimension_semantics<core_parallel>, #tpu.dimension_semantics<subcore_parallel>], iteration_bounds = array<i64: 2, 16>, scalar_prefetch = 0 : i64, scratch_operands = 25 : i64, tpu.core_type = #tpu.core_type<sc_vector_subcore>, window_params = [{transform_indices = #map}, {transform_indices = #map}, {transform_indices = #map}]} {
    %mul3A = arith.constant 2 : i32
    %mul3A_0 = arith.muli %arg1, %mul3A : i32
    %add3A = arith.addi %mul3A_0, %arg0 : i32
    %jit3A = arith.constant 16 : i32
    %div3A = arith.divsi %add3A, %jit3A : i32
    %sign3A = arith.constant 0 : i32
    %sign3A_1 = arith.cmpi sgt, %add3A, %sign3A : i32
    %sign3A_2 = arith.extui %sign3A_1 : i1 to i32
    %sign3A_3 = arith.constant 0 : i32
    %sign3A_4 = arith.cmpi slt, %add3A, %sign3A_3 : i32
    %sign3A_5 = arith.extui %sign3A_4 : i1 to i32
    %sign3A_6 = arith.subi %sign3A_2, %sign3A_5 : i32
    %sign3A_7 = arith.constant 0 : i32
    %sign3A_8 = arith.cmpi sgt, %jit3A, %sign3A_7 : i32
    %sign3A_9 = arith.extui %sign3A_8 : i1 to i32
    %sign3A_10 = arith.constant 0 : i32
    %sign3A_11 = arith.cmpi slt, %jit3A, %sign3A_10 : i32
    %sign3A_12 = arith.extui %sign3A_11 : i1 to i32
    %sign3A_13 = arith.subi %sign3A_9, %sign3A_12 : i32
    %ne3A = arith.cmpi ne, %sign3A_6, %sign3A_13 : i32
    %rem3A = arith.remsi %add3A, %jit3A : i32
    %ne3A_14 = arith.constant 0 : i32
    %ne3A_15 = arith.cmpi ne, %rem3A, %ne3A_14 : i32
    %and3A = arith.andi %ne3A, %ne3A_15 : i1
    %sub3A = arith.constant 1 : i32
    %sub3A_16 = arith.subi %div3A, %sub3A : i32
    %select_n3A = arith.select %and3A, %sub3A_16, %div3A : i32
    %mul3A_17 = arith.constant 524288 : i32
    %mul3A_18 = arith.muli %select_n3A, %mul3A_17 : i32
    %jit3A_19 = arith.constant 16 : i32
    %eq3A = arith.constant 0 : i32
    %eq3A_20 = arith.cmpi eq, %jit3A_19, %eq3A : i32
    %jit3A_21 = arith.constant 1 : i32
    %select_n3A_22 = arith.select %eq3A_20, %jit3A_21, %jit3A_19 : i32
    %rem3A_23 = arith.remsi %add3A, %select_n3A_22 : i32
    %ne3A_24 = arith.constant 0 : i32
    %ne3A_25 = arith.cmpi ne, %rem3A_23, %ne3A_24 : i32
    %lt3A = arith.constant 0 : i32
    %lt3A_26 = arith.cmpi slt, %rem3A_23, %lt3A : i32
    %lt3A_27 = arith.constant 0 : i32
    %lt3A_28 = arith.cmpi slt, %select_n3A_22, %lt3A_27 : i32
    %ne3A_29 = arith.xori %lt3A_26, %lt3A_28 : i1
    %and3A_30 = arith.andi %ne3A_29, %ne3A_25 : i1
    %add3A_31 = arith.addi %rem3A_23, %select_n3A_22 : i32
    %select_n3A_32 = arith.select %and3A_30, %add3A_31, %rem3A_23 : i32
    %mul3A_33 = arith.constant 16384 : i32
    %mul3A_34 = arith.muli %select_n3A_32, %mul3A_33 : i32
    %add3A_35 = arith.addi %mul3A_18, %mul3A_34 : i32
    %add3A_36 = arith.constant 262144 : i32
    %add3A_37 = arith.addi %add3A_35, %add3A_36 : i32
    %mul3A_38 = arith.constant 16384 : i32
    %mul3A_39 = arith.muli %add3A, %mul3A_38 : i32
    %iota3A = tpu.iota {dimensions = array<i32: 0>} : vector<16xi32>
    %broadcast_in_dim3A = arith.constant 0.000000e+00 : f32
    %broadcast_in_dim3A_40 = vector.broadcast %broadcast_in_dim3A : f32 to vector<16xf32>
    %broadcast_in_dim3A_41 = arith.constant 1 : i32
    %broadcast_in_dim3A_42 = vector.broadcast %broadcast_in_dim3A_41 : i32 to vector<16xi32>
    %broadcast_in_dim3A_43 = arith.constant 0 : i32
    %broadcast_in_dim3A_44 = vector.broadcast %broadcast_in_dim3A_43 : i32 to vector<16xi32>
    %broadcast_in_dim3A_45 = arith.constant 1073741824 : i32
    %broadcast_in_dim3A_46 = vector.broadcast %broadcast_in_dim3A_45 : i32 to vector<16xi32>
    %broadcast_in_dim3A_47 = arith.constant 0xFF800000 : f32
    %broadcast_in_dim3A_48 = vector.broadcast %broadcast_in_dim3A_47 : f32 to vector<16xf32>
    %swap3A = arith.constant 0 : index
    %swap3A_49 = tpu.vector_load %arg15[%swap3A] {strides = array<i32>} : memref<16xf32, #tpu.memory_space<vmem>>, vector<16xf32>,
    tpu.vector_store %arg15[%swap3A], %broadcast_in_dim3A_48 {strides = array<i32>} : memref<16xf32, #tpu.memory_space<vmem>>, vector<16xf32>,
    %swap3A_50 = arith.constant 0 : index
    %swap3A_51 = tpu.vector_load %arg16[%swap3A_50] {strides = array<i32>} : memref<16xf32, #tpu.memory_space<vmem>>, vector<16xf32>,
    tpu.vector_store %arg16[%swap3A_50], %broadcast_in_dim3A_40 {strides = array<i32>} : memref<16xf32, #tpu.memory_space<vmem>>, vector<16xf32>,
    %swap3A_52 = arith.constant 0 : index
    %swap3A_53 = tpu.vector_load %arg17[%swap3A_52] {strides = array<i32>} : memref<16xf32, #tpu.memory_space<vmem>>, vector<16xf32>,
    tpu.vector_store %arg17[%swap3A_52], %broadcast_in_dim3A_40 {strides = array<i32>} : memref<16xf32, #tpu.memory_space<vmem>>, vector<16xf32>,
    %swap3A_54 = arith.constant 0 : index
    %swap3A_55 = tpu.vector_load %arg18[%swap3A_54] {strides = array<i32>} : memref<16xf32, #tpu.memory_space<vmem>>, vector<16xf32>,
    tpu.vector_store %arg18[%swap3A_54], %broadcast_in_dim3A_40 {strides = array<i32>} : memref<16xf32, #tpu.memory_space<vmem>>, vector<16xf32>,
    %swap3A_56 = arith.constant 0 : index
    %swap3A_57 = tpu.vector_load %arg19[%swap3A_56] {strides = array<i32>} : memref<16xf32, #tpu.memory_space<vmem>>, vector<16xf32>,
    tpu.vector_store %arg19[%swap3A_56], %broadcast_in_dim3A_40 {strides = array<i32>} : memref<16xf32, #tpu.memory_space<vmem>>, vector<16xf32>,
    %swap3A_58 = arith.constant 0 : index
    %swap3A_59 = tpu.vector_load %arg20[%swap3A_58] {strides = array<i32>} : memref<16xi32, #tpu.memory_space<vmem>>, vector<16xi32>,
    tpu.vector_store %arg20[%swap3A_58], %broadcast_in_dim3A_44 {strides = array<i32>} : memref<16xi32, #tpu.memory_space<vmem>>, vector<16xi32>,
    %swap3A_60 = arith.constant 0 : index
    %swap3A_61 = tpu.vector_load %arg11[%swap3A_60] {strides = array<i32>} : memref<16xi32, #tpu.memory_space<vmem>>, vector<16xi32>,
    tpu.vector_store %arg11[%swap3A_60], %broadcast_in_dim3A_46 {strides = array<i32>} : memref<16xi32, #tpu.memory_space<vmem>>, vector<16xi32>,
    %swap3A_62 = arith.constant 0 : index
    %swap3A_63 = tpu.vector_load %arg12[%swap3A_62] {strides = array<i32>} : memref<16xi32, #tpu.memory_space<vmem>>, vector<16xi32>,
    tpu.vector_store %arg12[%swap3A_62], %broadcast_in_dim3A_46 {strides = array<i32>} : memref<16xi32, #tpu.memory_space<vmem>>, vector<16xi32>,
    %swap3A_64 = arith.constant 0 : index
    %swap3A_65 = tpu.vector_load %arg13[%swap3A_64] {strides = array<i32>} : memref<16xi32, #tpu.memory_space<vmem>>, vector<16xi32>,
    tpu.vector_store %arg13[%swap3A_64], %broadcast_in_dim3A_46 {strides = array<i32>} : memref<16xi32, #tpu.memory_space<vmem>>, vector<16xi32>,
    %swap3A_66 = arith.constant 0 : index
    %swap3A_67 = tpu.vector_load %arg14[%swap3A_66] {strides = array<i32>} : memref<16xi32, #tpu.memory_space<vmem>>, vector<16xi32>,
    tpu.vector_store %arg14[%swap3A_66], %broadcast_in_dim3A_46 {strides = array<i32>} : memref<16xi32, #tpu.memory_space<vmem>>, vector<16xi32>,
    %swap3A_68 = arith.constant 1073741824 : i32
    %swap3A_69 = arith.constant 0 : i32
    %swap3A_70 = arith.index_cast %swap3A_69 : i32 to index
    %swap3A_71 = memref.load %arg28[%swap3A_70] : memref<8xi32, #tpu.memory_space<smem>>
    memref.store %swap3A_68, %arg28[%swap3A_70] : memref<8xi32, #tpu.memory_space<smem>>
    %swap3A_72 = arith.constant 1073741824 : i32
    %swap3A_73 = arith.constant 1 : i32
    %swap3A_74 = arith.index_cast %swap3A_73 : i32 to index
    %swap3A_75 = memref.load %arg28[%swap3A_74] : memref<8xi32, #tpu.memory_space<smem>>
    memref.store %swap3A_72, %arg28[%swap3A_74] : memref<8xi32, #tpu.memory_space<smem>>
    %swap3A_76 = arith.constant 1073741824 : i32
    %swap3A_77 = arith.constant 2 : i32
    %swap3A_78 = arith.index_cast %swap3A_77 : i32 to index
    %swap3A_79 = memref.load %arg28[%swap3A_78] : memref<8xi32, #tpu.memory_space<smem>>
    memref.store %swap3A_76, %arg28[%swap3A_78] : memref<8xi32, #tpu.memory_space<smem>>
    %swap3A_80 = arith.constant 1073741824 : i32
    %swap3A_81 = arith.constant 3 : i32
    %swap3A_82 = arith.index_cast %swap3A_81 : i32 to index
    %swap3A_83 = memref.load %arg28[%swap3A_82] : memref<8xi32, #tpu.memory_space<smem>>
    memref.store %swap3A_80, %arg28[%swap3A_82] : memref<8xi32, #tpu.memory_space<smem>>
    %swap3A_84 = arith.constant 0.000000e+00 : f32
    %swap3A_85 = arith.constant 0 : i32
    %swap3A_86 = arith.index_cast %swap3A_85 : i32 to index
    %swap3A_87 = memref.load %arg29[%swap3A_86] : memref<16xf32, #tpu.memory_space<smem>>
    memref.store %swap3A_84, %arg29[%swap3A_86] : memref<16xf32, #tpu.memory_space<smem>>
    %swap3A_88 = arith.constant 0.000000e+00 : f32
    %swap3A_89 = arith.constant 1 : i32
    %swap3A_90 = arith.index_cast %swap3A_89 : i32 to index
    %swap3A_91 = memref.load %arg29[%swap3A_90] : memref<16xf32, #tpu.memory_space<smem>>
    memref.store %swap3A_88, %arg29[%swap3A_90] : memref<16xf32, #tpu.memory_space<smem>>
    %swap3A_92 = arith.constant 0.000000e+00 : f32
    %swap3A_93 = arith.constant 2 : i32
    %swap3A_94 = arith.index_cast %swap3A_93 : i32 to index
    %swap3A_95 = memref.load %arg29[%swap3A_94] : memref<16xf32, #tpu.memory_space<smem>>
    memref.store %swap3A_92, %arg29[%swap3A_94] : memref<16xf32, #tpu.memory_space<smem>>
    %swap3A_96 = arith.constant 0.000000e+00 : f32
    %swap3A_97 = arith.constant 3 : i32
    %swap3A_98 = arith.index_cast %swap3A_97 : i32 to index
    %swap3A_99 = memref.load %arg29[%swap3A_98] : memref<16xf32, #tpu.memory_space<smem>>
    memref.store %swap3A_96, %arg29[%swap3A_98] : memref<16xf32, #tpu.memory_space<smem>>
    %swap3A_100 = arith.constant 0.000000e+00 : f32
    %swap3A_101 = arith.constant 4 : i32
    %swap3A_102 = arith.index_cast %swap3A_101 : i32 to index
    %swap3A_103 = memref.load %arg29[%swap3A_102] : memref<16xf32, #tpu.memory_space<smem>>
    memref.store %swap3A_100, %arg29[%swap3A_102] : memref<16xf32, #tpu.memory_space<smem>>
    %swap3A_104 = arith.constant 0.000000e+00 : f32
    %swap3A_105 = arith.constant 5 : i32
    %swap3A_106 = arith.index_cast %swap3A_105 : i32 to index
    %swap3A_107 = memref.load %arg29[%swap3A_106] : memref<16xf32, #tpu.memory_space<smem>>
    memref.store %swap3A_104, %arg29[%swap3A_106] : memref<16xf32, #tpu.memory_space<smem>>
    %swap3A_108 = arith.constant 0.000000e+00 : f32
    %swap3A_109 = arith.constant 6 : i32
    %swap3A_110 = arith.index_cast %swap3A_109 : i32 to index
    %swap3A_111 = memref.load %arg29[%swap3A_110] : memref<16xf32, #tpu.memory_space<smem>>
    memref.store %swap3A_108, %arg29[%swap3A_110] : memref<16xf32, #tpu.memory_space<smem>>
    %swap3A_112 = arith.constant 0.000000e+00 : f32
    %swap3A_113 = arith.constant 7 : i32
    %swap3A_114 = arith.index_cast %swap3A_113 : i32 to index
    %swap3A_115 = memref.load %arg29[%swap3A_114] : memref<16xf32, #tpu.memory_space<smem>>
    memref.store %swap3A_112, %arg29[%swap3A_114] : memref<16xf32, #tpu.memory_space<smem>>
    %swap3A_116 = arith.constant 0.000000e+00 : f32
    %swap3A_117 = arith.constant 8 : i32
    %swap3A_118 = arith.index_cast %swap3A_117 : i32 to index
    %swap3A_119 = memref.load %arg29[%swap3A_118] : memref<16xf32, #tpu.memory_space<smem>>
    memref.store %swap3A_116, %arg29[%swap3A_118] : memref<16xf32, #tpu.memory_space<smem>>
    %swap3A_120 = arith.constant 0.000000e+00 : f32
    %swap3A_121 = arith.constant 9 : i32
    %swap3A_122 = arith.index_cast %swap3A_121 : i32 to index
    %swap3A_123 = memref.load %arg29[%swap3A_122] : memref<16xf32, #tpu.memory_space<smem>>
    memref.store %swap3A_120, %arg29[%swap3A_122] : memref<16xf32, #tpu.memory_space<smem>>
    %add3A_124 = arith.constant 0 : i32
    %add3A_125 = arith.addi %add3A_35, %add3A_124 : i32
    %dma_start3A = tpu.memref_slice %arg2[%add3A_125] : memref<1048576xf32, #tpu.memory_space<hbm>> -> memref<16384xf32, #tpu.memory_space<hbm>>
    %dma_start3A_126 = tpu.memref_slice %arg2[%add3A_125] : memref<1048576xf32, #tpu.memory_space<hbm>> -> memref<16384xf32, #tpu.memory_space<hbm>>
    tpu.enqueue_dma source(%dma_start3A_126 : memref<16384xf32, #tpu.memory_space<hbm>>) target(%arg5 : memref<16384xf32, #tpu.memory_space<vmem>>) target_semaphore(%arg22 : memref<!tpu.dma_semaphore, #tpu.memory_space<semaphore_mem>>)
    %add3A_127 = arith.constant 0 : i32
    %add3A_128 = arith.addi %add3A_37, %add3A_127 : i32
    %dma_start3A_129 = tpu.memref_slice %arg2[%add3A_128] : memref<1048576xf32, #tpu.memory_space<hbm>> -> memref<16384xf32, #tpu.memory_space<hbm>>
    %dma_start3A_130 = tpu.memref_slice %arg2[%add3A_128] : memref<1048576xf32, #tpu.memory_space<hbm>> -> memref<16384xf32, #tpu.memory_space<hbm>>
    tpu.enqueue_dma source(%dma_start3A_130 : memref<16384xf32, #tpu.memory_space<hbm>>) target(%arg6 : memref<16384xf32, #tpu.memory_space<vmem>>) target_semaphore(%arg23 : memref<!tpu.dma_semaphore, #tpu.memory_space<semaphore_mem>>)
    %add3A_131 = arith.constant 0 : i32
    %add3A_132 = arith.addi %mul3A_39, %add3A_131 : i32
    %dma_start3A_133 = tpu.memref_slice %arg3[%add3A_132] : memref<524288xi32, #tpu.memory_space<hbm>> -> memref<16384xi32, #tpu.memory_space<hbm>>
    %dma_start3A_134 = tpu.memref_slice %arg3[%add3A_132] : memref<524288xi32, #tpu.memory_space<hbm>> -> memref<16384xi32, #tpu.memory_space<hbm>>
    tpu.enqueue_dma source(%dma_start3A_134 : memref<16384xi32, #tpu.memory_space<hbm>>) target(%arg7 : memref<16384xi32, #tpu.memory_space<vmem>>) target_semaphore(%arg24 : memref<!tpu.dma_semaphore, #tpu.memory_space<semaphore_mem>>)
    %dma_wait3A = tpu.memref_slice %arg2[%add3A_125] : memref<1048576xf32, #tpu.memory_space<hbm>> -> memref<16384xf32, #tpu.memory_space<hbm>>
    %dma_wait3A_135 = tpu.memref_slice %arg2[%add3A_125] : memref<1048576xf32, #tpu.memory_space<hbm>> -> memref<16384xf32, #tpu.memory_space<hbm>>
    tpu.wait_dma2 semaphore(%arg22 : memref<!tpu.dma_semaphore, #tpu.memory_space<semaphore_mem>>) src(%dma_wait3A_135 : memref<16384xf32, #tpu.memory_space<hbm>>) dst(%arg5 : memref<16384xf32, #tpu.memory_space<vmem>>)
    %dma_wait3A_136 = tpu.memref_slice %arg2[%add3A_128] : memref<1048576xf32, #tpu.memory_space<hbm>> -> memref<16384xf32, #tpu.memory_space<hbm>>
    %dma_wait3A_137 = tpu.memref_slice %arg2[%add3A_128] : memref<1048576xf32, #tpu.memory_space<hbm>> -> memref<16384xf32, #tpu.memory_space<hbm>>
    tpu.wait_dma2 semaphore(%arg23 : memref<!tpu.dma_semaphore, #tpu.memory_space<semaphore_mem>>) src(%dma_wait3A_137 : memref<16384xf32, #tpu.memory_space<hbm>>) dst(%arg6 : memref<16384xf32, #tpu.memory_space<vmem>>)
    %dma_wait3A_138 = tpu.memref_slice %arg3[%add3A_132] : memref<524288xi32, #tpu.memory_space<hbm>> -> memref<16384xi32, #tpu.memory_space<hbm>>
    %dma_wait3A_139 = tpu.memref_slice %arg3[%add3A_132] : memref<524288xi32, #tpu.memory_space<hbm>> -> memref<16384xi32, #tpu.memory_space<hbm>>
    tpu.wait_dma2 semaphore(%arg24 : memref<!tpu.dma_semaphore, #tpu.memory_space<semaphore_mem>>) src(%dma_wait3A_139 : memref<16384xi32, #tpu.memory_space<hbm>>) dst(%arg7 : memref<16384xi32, #tpu.memory_space<vmem>>)
    %add3A_140 = arith.constant 0 : i32
    %add3A_141 = arith.addi %mul3A_39, %add3A_140 : i32
    %eq3A_142 = arith.constant 0 : i32
    %eq3A_143 = vector.broadcast %eq3A_142 : i32 to vector<16xi32>
    %eq3A_144 = arith.cmpi eq, %iota3A, %eq3A_143 : vector<16xi32>
    %get3A = arith.constant 0 : index
    %get3A_145 = tpu.vector_load %arg5[%get3A] {strides = array<i32>} : memref<16384xf32, #tpu.memory_space<vmem>>, vector<16xf32>,
    %select_n3A_146 = arith.select %eq3A_144, %get3A_145, %broadcast_in_dim3A_40 : vector<16xi1>, vector<16xf32>
    %reduce_sum3A = arith.constant true
    %reduce_sum3A_147 = vector.broadcast %reduce_sum3A : i1 to vector<16xi1>
    %reduce_sum3A_148 = tpu.scan <sum>, %select_n3A_146 masked %reduce_sum3A_147 : vector<16xf32>, vector<16xi1> -> vector<16xf32>
    %reduce_sum3A_149 = vector.extract %reduce_sum3A_148[15] : f32 from vector<16xf32>
    %swap3A_150 = arith.constant 8 : i32
    %swap3A_151 = arith.index_cast %swap3A_150 : i32 to index
    %swap3A_152 = memref.load %arg29[%swap3A_151] : memref<16xf32, #tpu.memory_space<smem>>
    memref.store %reduce_sum3A_149, %arg29[%swap3A_151] : memref<16xf32, #tpu.memory_space<smem>>
    %get3A_153 = arith.constant 0 : index
    %get3A_154 = tpu.vector_load %arg6[%get3A_153] {strides = array<i32>} : memref<16384xf32, #tpu.memory_space<vmem>>, vector<16xf32>,
    %select_n3A_155 = arith.select %eq3A_144, %get3A_154, %broadcast_in_dim3A_40 : vector<16xi1>, vector<16xf32>
    %reduce_sum3A_156 = arith.constant true
    %reduce_sum3A_157 = vector.broadcast %reduce_sum3A_156 : i1 to vector<16xi1>
    %reduce_sum3A_158 = tpu.scan <sum>, %select_n3A_155 masked %reduce_sum3A_157 : vector<16xf32>, vector<16xi1> -> vector<16xf32>
    %reduce_sum3A_159 = vector.extract %reduce_sum3A_158[15] : f32 from vector<16xf32>
    %swap3A_160 = arith.constant 9 : i32
    %swap3A_161 = arith.index_cast %swap3A_160 : i32 to index
    %swap3A_162 = memref.load %arg29[%swap3A_161] : memref<16xf32, #tpu.memory_space<smem>>
    memref.store %reduce_sum3A_159, %arg29[%swap3A_161] : memref<16xf32, #tpu.memory_space<smem>>
    %scan3A = arith.constant 0 : i32
    %scan3A_163 = arith.constant 1024 : i32
    %scan3A_164 = arith.addi %scan3A, %scan3A_163 : i32
    %scan3A_165 = arith.constant 1 : i32
    %scan3A_166 = scf.for %scan3A_406 = %scan3A to %scan3A_164 step %scan3A_165 iter_args(%scan3A_407 = %broadcast_in_dim3A_48) -> (vector<16xf32>)  : i32 {
      %mul3A_408 = arith.constant 16 : i32
      %mul3A_409 = arith.muli %scan3A_406, %mul3A_408 : i32
      %get3A_410 = arith.index_cast %mul3A_409 : i32 to index
      %get3A_411 = tpu.vector_load %arg5[%get3A_410] {strides = array<i32>} : memref<16384xf32, #tpu.memory_space<vmem>>, vector<16xf32>,
      %get3A_412 = arith.index_cast %mul3A_409 : i32 to index
      %get3A_413 = tpu.vector_load %arg6[%get3A_412] {strides = array<i32>} : memref<16384xf32, #tpu.memory_space<vmem>>, vector<16xf32>,
      %max3A_414 = arith.maximumf %get3A_411, %get3A_413 : vector<16xf32>
      %max3A_415 = arith.maximumf %scan3A_407, %max3A_414 : vector<16xf32>
      scf.yield %max3A_415 : vector<16xf32>
    }
    %scan3A_167 = arith.constant 1024 : i32
    %get3A_168 = arith.constant 0 : index
    %get3A_169 = tpu.vector_load %arg15[%get3A_168] {strides = array<i32>} : memref<16xf32, #tpu.memory_space<vmem>>, vector<16xf32>,
    %reduce_max3A = arith.constant true
    %reduce_max3A_170 = vector.broadcast %reduce_max3A : i1 to vector<16xi1>
    %reduce_max3A_171 = tpu.scan <max>, %scan3A_166 masked %reduce_max3A_170 : vector<16xf32>, vector<16xi1> -> vector<16xf32>
    %reduce_max3A_172 = vector.extract %reduce_max3A_171[15] : f32 from vector<16xf32>
    %broadcast_in_dim3A_173 = vector.broadcast %reduce_max3A_172 : f32 to vector<16xf32>
    %max3A = arith.maximumf %get3A_169, %broadcast_in_dim3A_173 : vector<16xf32>
    %sub3A_174 = arith.subf %get3A_169, %max3A : vector<16xf32>
    %exp3A = math.exp %sub3A_174 : vector<16xf32>
    %swap3A_175 = arith.constant 0 : index
    %swap3A_176 = tpu.vector_load %arg15[%swap3A_175] {strides = array<i32>} : memref<16xf32, #tpu.memory_space<vmem>>, vector<16xf32>,
    tpu.vector_store %arg15[%swap3A_175], %max3A {strides = array<i32>} : memref<16xf32, #tpu.memory_space<vmem>>, vector<16xf32>,
    %get3A_177 = arith.constant 0 : index
    %get3A_178 = tpu.vector_load %arg16[%get3A_177] {strides = array<i32>} : memref<16xf32, #tpu.memory_space<vmem>>, vector<16xf32>,
    %mul3A_179 = arith.mulf %get3A_178, %exp3A : vector<16xf32>
    %get3A_180 = arith.constant 0 : index
    %get3A_181 = tpu.vector_load %arg17[%get3A_180] {strides = array<i32>} : memref<16xf32, #tpu.memory_space<vmem>>, vector<16xf32>,
    %mul3A_182 = arith.mulf %get3A_181, %exp3A : vector<16xf32>
    %get3A_183 = arith.constant 0 : index
    %get3A_184 = tpu.vector_load %arg18[%get3A_183] {strides = array<i32>} : memref<16xf32, #tpu.memory_space<vmem>>, vector<16xf32>,
    %mul3A_185 = arith.mulf %get3A_184, %exp3A : vector<16xf32>
    %get3A_186 = arith.constant 0 : index
    %get3A_187 = tpu.vector_load %arg19[%get3A_186] {strides = array<i32>} : memref<16xf32, #tpu.memory_space<vmem>>, vector<16xf32>,
    %mul3A_188 = arith.mulf %get3A_187, %exp3A : vector<16xf32>
    %get3A_189 = arith.constant 0 : index
    %get3A_190 = tpu.vector_load %arg20[%get3A_189] {strides = array<i32>} : memref<16xi32, #tpu.memory_space<vmem>>, vector<16xi32>,
    %scan3A_191 = arith.constant 0 : i32
    %scan3A_192 = arith.constant 1024 : i32
    %scan3A_193 = arith.addi %scan3A_191, %scan3A_192 : i32
    %scan3A_194 = arith.constant 1 : i32
    %scan3A_195:5 = scf.for %scan3A_406 = %scan3A_191 to %scan3A_193 step %scan3A_194 iter_args(%scan3A_407 = %mul3A_179, %scan3A_408 = %mul3A_182, %scan3A_409 = %mul3A_185, %scan3A_410 = %mul3A_188, %scan3A_411 = %get3A_190) -> (vector<16xf32>, vector<16xf32>, vector<16xf32>, vector<16xf32>, vector<16xi32>)  : i32 {
      %mul3A_412 = arith.constant 16 : i32
      %mul3A_413 = arith.muli %scan3A_406, %mul3A_412 : i32
      %get3A_414 = arith.index_cast %mul3A_413 : i32 to index
      %get3A_415 = tpu.vector_load %arg5[%get3A_414] {strides = array<i32>} : memref<16384xf32, #tpu.memory_space<vmem>>, vector<16xf32>,
      %get3A_416 = arith.index_cast %mul3A_413 : i32 to index
      %get3A_417 = tpu.vector_load %arg6[%get3A_416] {strides = array<i32>} : memref<16384xf32, #tpu.memory_space<vmem>>, vector<16xf32>,
      %get3A_418 = arith.index_cast %mul3A_413 : i32 to index
      %get3A_419 = tpu.vector_load %arg7[%get3A_418] {strides = array<i32>} : memref<16384xi32, #tpu.memory_space<vmem>>, vector<16xi32>,
      %eq3A_420 = arith.constant 1 : i32
      %eq3A_421 = vector.broadcast %eq3A_420 : i32 to vector<16xi32>
      %eq3A_422 = arith.cmpi eq, %get3A_419, %eq3A_421 : vector<16xi32>
      %sub3A_423 = arith.subf %get3A_415, %max3A : vector<16xf32>
      %exp3A_424 = math.exp %sub3A_423 : vector<16xf32>
      %sub3A_425 = arith.subf %get3A_417, %max3A : vector<16xf32>
      %exp3A_426 = math.exp %sub3A_425 : vector<16xf32>
      %select_n3A_427 = arith.select %eq3A_422, %exp3A_424, %broadcast_in_dim3A_40 : vector<16xi1>, vector<16xf32>
      %add3A_428 = arith.addf %scan3A_407, %select_n3A_427 : vector<16xf32>
      %select_n3A_429 = arith.select %eq3A_422, %broadcast_in_dim3A_40, %exp3A_424 : vector<16xi1>, vector<16xf32>
      %add3A_430 = arith.addf %scan3A_408, %select_n3A_429 : vector<16xf32>
      %select_n3A_431 = arith.select %eq3A_422, %exp3A_426, %broadcast_in_dim3A_40 : vector<16xi1>, vector<16xf32>
      %add3A_432 = arith.addf %scan3A_409, %select_n3A_431 : vector<16xf32>
      %select_n3A_433 = arith.select %eq3A_422, %broadcast_in_dim3A_40, %exp3A_426 : vector<16xi1>, vector<16xf32>
      %add3A_434 = arith.addf %scan3A_410, %select_n3A_433 : vector<16xf32>
      %select_n3A_435 = arith.select %eq3A_422, %broadcast_in_dim3A_42, %broadcast_in_dim3A_44 : vector<16xi1>, vector<16xi32>
      %add3A_436 = arith.addi %scan3A_411, %select_n3A_435 : vector<16xi32>
      scf.yield %add3A_428, %add3A_430, %add3A_432, %add3A_434, %add3A_436 : vector<16xf32>, vector<16xf32>, vector<16xf32>, vector<16xf32>, vector<16xi32>
    }
    %scan3A_196 = arith.constant 1024 : i32
    %swap3A_197 = arith.constant 0 : index
    %swap3A_198 = tpu.vector_load %arg16[%swap3A_197] {strides = array<i32>} : memref<16xf32, #tpu.memory_space<vmem>>, vector<16xf32>,
    tpu.vector_store %arg16[%swap3A_197], %scan3A_195#0 {strides = array<i32>} : memref<16xf32, #tpu.memory_space<vmem>>, vector<16xf32>,
    %swap3A_199 = arith.constant 0 : index
    %swap3A_200 = tpu.vector_load %arg17[%swap3A_199] {strides = array<i32>} : memref<16xf32, #tpu.memory_space<vmem>>, vector<16xf32>,
    tpu.vector_store %arg17[%swap3A_199], %scan3A_195#1 {strides = array<i32>} : memref<16xf32, #tpu.memory_space<vmem>>, vector<16xf32>,
    %swap3A_201 = arith.constant 0 : index
    %swap3A_202 = tpu.vector_load %arg18[%swap3A_201] {strides = array<i32>} : memref<16xf32, #tpu.memory_space<vmem>>, vector<16xf32>,
    tpu.vector_store %arg18[%swap3A_201], %scan3A_195#2 {strides = array<i32>} : memref<16xf32, #tpu.memory_space<vmem>>, vector<16xf32>,
    %swap3A_203 = arith.constant 0 : index
    %swap3A_204 = tpu.vector_load %arg19[%swap3A_203] {strides = array<i32>} : memref<16xf32, #tpu.memory_space<vmem>>, vector<16xf32>,
    tpu.vector_store %arg19[%swap3A_203], %scan3A_195#3 {strides = array<i32>} : memref<16xf32, #tpu.memory_space<vmem>>, vector<16xf32>,
    %swap3A_205 = arith.constant 0 : index
    %swap3A_206 = tpu.vector_load %arg20[%swap3A_205] {strides = array<i32>} : memref<16xi32, #tpu.memory_space<vmem>>, vector<16xi32>,
    tpu.vector_store %arg20[%swap3A_205], %scan3A_195#4 {strides = array<i32>} : memref<16xi32, #tpu.memory_space<vmem>>, vector<16xi32>,
    %get3A_207 = arith.constant 1 : i32
    %get3A_208 = arith.index_cast %get3A_207 : i32 to index
    %get3A_209 = memref.load %arg28[%get3A_208] : memref<8xi32, #tpu.memory_space<smem>>
    %ge3A = arith.constant 1073741824 : i32
    %ge3A_210 = arith.cmpi sge, %get3A_209, %ge3A : i32
    %get3A_211 = arith.constant 3 : i32
    %get3A_212 = arith.index_cast %get3A_211 : i32 to index
    %get3A_213 = memref.load %arg28[%get3A_212] : memref<8xi32, #tpu.memory_space<smem>>
    %ge3A_214 = arith.constant 1073741824 : i32
    %ge3A_215 = arith.cmpi sge, %get3A_213, %ge3A_214 : i32
    %or3A = arith.ori %ge3A_210, %ge3A_215 : i1
    %convert_element_type3A = arith.extui %or3A : i1 to i32
    %cond3A = arith.constant 0 : i32
    %cond3A_216 = arith.cmpi ne, %convert_element_type3A, %cond3A : i32
    scf.if %cond3A_216 {
      %get3A_406 = arith.constant 0 : index
      %get3A_407 = tpu.vector_load %arg11[%get3A_406] {strides = array<i32>} : memref<16xi32, #tpu.memory_space<vmem>>, vector<16xi32>,
      %get3A_408 = arith.constant 0 : index
      %get3A_409 = tpu.vector_load %arg12[%get3A_408] {strides = array<i32>} : memref<16xi32, #tpu.memory_space<vmem>>, vector<16xi32>,
      %get3A_410 = arith.constant 0 : index
      %get3A_411 = tpu.vector_load %arg13[%get3A_410] {strides = array<i32>} : memref<16xi32, #tpu.memory_space<vmem>>, vector<16xi32>,
      %get3A_412 = arith.constant 0 : index
      %get3A_413 = tpu.vector_load %arg14[%get3A_412] {strides = array<i32>} : memref<16xi32, #tpu.memory_space<vmem>>, vector<16xi32>,
      %scan3A_414 = arith.constant 0 : i32
      %scan3A_415 = arith.constant 1024 : i32
      %scan3A_416 = arith.addi %scan3A_414, %scan3A_415 : i32
      %scan3A_417 = arith.constant 1 : i32
      %scan3A_418:4 = scf.for %scan3A_778 = %scan3A_414 to %scan3A_416 step %scan3A_417 iter_args(%scan3A_779 = %get3A_407, %scan3A_780 = %get3A_409, %scan3A_781 = %get3A_411, %scan3A_782 = %get3A_413) -> (vector<16xi32>, vector<16xi32>, vector<16xi32>, vector<16xi32>)  : i32 {
        %mul3A_783 = arith.constant 16 : i32
        %mul3A_784 = arith.muli %scan3A_778, %mul3A_783 : i32
        %get3A_785 = arith.index_cast %mul3A_784 : i32 to index
        %get3A_786 = tpu.vector_load %arg7[%get3A_785] {strides = array<i32>} : memref<16384xi32, #tpu.memory_space<vmem>>, vector<16xi32>,
        %eq3A_787 = arith.constant 1 : i32
        %eq3A_788 = vector.broadcast %eq3A_787 : i32 to vector<16xi32>
        %eq3A_789 = arith.cmpi eq, %get3A_786, %eq3A_788 : vector<16xi32>
        %add3A_790 = arith.addi %add3A_141, %mul3A_784 : i32
        %add3A_791 = vector.broadcast %add3A_790 : i32 to vector<16xi32>
        %add3A_792 = arith.addi %add3A_791, %iota3A : vector<16xi32>
        %select_n3A_793 = arith.select %eq3A_789, %add3A_792, %broadcast_in_dim3A_46 : vector<16xi1>, vector<16xi32>
        %select_n3A_794 = arith.select %eq3A_789, %broadcast_in_dim3A_46, %add3A_792 : vector<16xi1>, vector<16xi32>
        %max3A_795 = arith.maxsi %scan3A_779, %select_n3A_793 : vector<16xi32>
        %min3A_796 = arith.minsi %scan3A_779, %select_n3A_793 : vector<16xi32>
        %min3A_797 = arith.minsi %scan3A_780, %max3A_795 : vector<16xi32>
        %max3A_798 = arith.maxsi %scan3A_781, %select_n3A_794 : vector<16xi32>
        %min3A_799 = arith.minsi %scan3A_781, %select_n3A_794 : vector<16xi32>
        %min3A_800 = arith.minsi %scan3A_782, %max3A_798 : vector<16xi32>
        scf.yield %min3A_796, %min3A_797, %min3A_799, %min3A_800 : vector<16xi32>, vector<16xi32>, vector<16xi32>, vector<16xi32>
      }
      %scan3A_419 = arith.constant 1024 : i32
      %swap3A_420 = arith.constant 0 : index
      %swap3A_421 = tpu.vector_load %arg11[%swap3A_420] {strides = array<i32>} : memref<16xi32, #tpu.memory_space<vmem>>, vector<16xi32>,
      tpu.vector_store %arg11[%swap3A_420], %scan3A_418#0 {strides = array<i32>} : memref<16xi32, #tpu.memory_space<vmem>>, vector<16xi32>,
      %swap3A_422 = arith.constant 0 : index
      %swap3A_423 = tpu.vector_load %arg12[%swap3A_422] {strides = array<i32>} : memref<16xi32, #tpu.memory_space<vmem>>, vector<16xi32>,
      tpu.vector_store %arg12[%swap3A_422], %scan3A_418#1 {strides = array<i32>} : memref<16xi32, #tpu.memory_space<vmem>>, vector<16xi32>,
      %swap3A_424 = arith.constant 0 : index
      %swap3A_425 = tpu.vector_load %arg13[%swap3A_424] {strides = array<i32>} : memref<16xi32, #tpu.memory_space<vmem>>, vector<16xi32>,
      tpu.vector_store %arg13[%swap3A_424], %scan3A_418#2 {strides = array<i32>} : memref<16xi32, #tpu.memory_space<vmem>>, vector<16xi32>,
      %swap3A_426 = arith.constant 0 : index
      %swap3A_427 = tpu.vector_load %arg14[%swap3A_426] {strides = array<i32>} : memref<16xi32, #tpu.memory_space<vmem>>, vector<16xi32>,
      tpu.vector_store %arg14[%swap3A_426], %scan3A_418#3 {strides = array<i32>} : memref<16xi32, #tpu.memory_space<vmem>>, vector<16xi32>,
      %reduce_min3A = arith.constant true
      %reduce_min3A_428 = vector.broadcast %reduce_min3A : i1 to vector<16xi1>
      %reduce_min3A_429 = arith.constant -2147483648 : i32
      %reduce_min3A_430 = vector.broadcast %reduce_min3A_429 : i32 to vector<16xi32>
      %reduce_min3A_431 = arith.xori %scan3A_418#0, %reduce_min3A_430 : vector<16xi32>
      %reduce_min3A_432 = tpu.scan <min>, %reduce_min3A_431 masked %reduce_min3A_428 : vector<16xi32>, vector<16xi1> -> vector<16xi32>
      %reduce_min3A_433 = arith.xori %reduce_min3A_432, %reduce_min3A_430 : vector<16xi32>
      %reduce_min3A_434 = vector.extract %reduce_min3A_433[15] : i32 from vector<16xi32>
      %broadcast_in_dim3A_435 = vector.broadcast %reduce_min3A_434 : i32 to vector<16xi32>
      %eq3A_436 = arith.cmpi eq, %scan3A_418#0, %broadcast_in_dim3A_435 : vector<16xi32>
      %select_n3A_437 = arith.select %eq3A_436, %broadcast_in_dim3A_46, %scan3A_418#0 : vector<16xi1>, vector<16xi32>
      %reduce_min3A_438 = arith.constant true
      %reduce_min3A_439 = vector.broadcast %reduce_min3A_438 : i1 to vector<16xi1>
      %reduce_min3A_440 = arith.constant -2147483648 : i32
      %reduce_min3A_441 = vector.broadcast %reduce_min3A_440 : i32 to vector<16xi32>
      %reduce_min3A_442 = arith.xori %select_n3A_437, %reduce_min3A_441 : vector<16xi32>
      %reduce_min3A_443 = tpu.scan <min>, %reduce_min3A_442 masked %reduce_min3A_439 : vector<16xi32>, vector<16xi1> -> vector<16xi32>
      %reduce_min3A_444 = arith.xori %reduce_min3A_443, %reduce_min3A_441 : vector<16xi32>
      %reduce_min3A_445 = vector.extract %reduce_min3A_444[15] : i32 from vector<16xi32>
      %reduce_min3A_446 = arith.constant true
      %reduce_min3A_447 = vector.broadcast %reduce_min3A_446 : i1 to vector<16xi1>
      %reduce_min3A_448 = arith.constant -2147483648 : i32
      %reduce_min3A_449 = vector.broadcast %reduce_min3A_448 : i32 to vector<16xi32>
      %reduce_min3A_450 = arith.xori %scan3A_418#1, %reduce_min3A_449 : vector<16xi32>
      %reduce_min3A_451 = tpu.scan <min>, %reduce_min3A_450 masked %reduce_min3A_447 : vector<16xi32>, vector<16xi1> -> vector<16xi32>
      %reduce_min3A_452 = arith.xori %reduce_min3A_451, %reduce_min3A_449 : vector<16xi32>
      %reduce_min3A_453 = vector.extract %reduce_min3A_452[15] : i32 from vector<16xi32>
      %min3A = arith.minsi %reduce_min3A_445, %reduce_min3A_453 : i32
      %get3A_454 = arith.constant 0 : i32
      %get3A_455 = arith.index_cast %get3A_454 : i32 to index
      %get3A_456 = memref.load %arg28[%get3A_455] : memref<8xi32, #tpu.memory_space<smem>>
      %ge3A_457 = arith.constant 1073741824 : i32
      %ge3A_458 = arith.cmpi sge, %get3A_456, %ge3A_457 : i32
      %lt3A_459 = arith.constant 1073741824 : i32
      %lt3A_460 = arith.cmpi slt, %reduce_min3A_434, %lt3A_459 : i32
      %and3A_461 = arith.andi %ge3A_458, %lt3A_460 : i1
      %sub3A_462 = arith.subi %reduce_min3A_434, %add3A_141 : i32
      %jit3A_463 = arith.constant 0 : i32
      %jit3A_464 = arith.constant 16383 : i32
      %max3A_465 = arith.maxsi %jit3A_463, %sub3A_462 : i32
      %min3A_466 = arith.minsi %jit3A_464, %max3A_465 : i32
      %jit3A_467 = arith.constant 16 : i32
      %div3A_468 = arith.divsi %min3A_466, %jit3A_467 : i32
      %sign3A_469 = arith.constant 0 : i32
      %sign3A_470 = arith.cmpi sgt, %min3A_466, %sign3A_469 : i32
      %sign3A_471 = arith.extui %sign3A_470 : i1 to i32
      %sign3A_472 = arith.constant 0 : i32
      %sign3A_473 = arith.cmpi slt, %min3A_466, %sign3A_472 : i32
      %sign3A_474 = arith.extui %sign3A_473 : i1 to i32
      %sign3A_475 = arith.subi %sign3A_471, %sign3A_474 : i32
      %sign3A_476 = arith.constant 0 : i32
      %sign3A_477 = arith.cmpi sgt, %jit3A_467, %sign3A_476 : i32
      %sign3A_478 = arith.extui %sign3A_477 : i1 to i32
      %sign3A_479 = arith.constant 0 : i32
      %sign3A_480 = arith.cmpi slt, %jit3A_467, %sign3A_479 : i32
      %sign3A_481 = arith.extui %sign3A_480 : i1 to i32
      %sign3A_482 = arith.subi %sign3A_478, %sign3A_481 : i32
      %ne3A_483 = arith.cmpi ne, %sign3A_475, %sign3A_482 : i32
      %rem3A_484 = arith.remsi %min3A_466, %jit3A_467 : i32
      %ne3A_485 = arith.constant 0 : i32
      %ne3A_486 = arith.cmpi ne, %rem3A_484, %ne3A_485 : i32
      %and3A_487 = arith.andi %ne3A_483, %ne3A_486 : i1
      %sub3A_488 = arith.constant 1 : i32
      %sub3A_489 = arith.subi %div3A_468, %sub3A_488 : i32
      %select_n3A_490 = arith.select %and3A_487, %sub3A_489, %div3A_468 : i32
      %mul3A_491 = arith.constant 16 : i32
      %mul3A_492 = arith.muli %select_n3A_490, %mul3A_491 : i32
      %sub3A_493 = arith.subi %min3A_466, %mul3A_492 : i32
      %eq3A_494 = vector.broadcast %sub3A_493 : i32 to vector<16xi32>
      %eq3A_495 = arith.cmpi eq, %iota3A, %eq3A_494 : vector<16xi32>
      %get3A_496 = arith.index_cast %mul3A_492 : i32 to index
      %get3A_497 = tpu.vector_load %arg5[%get3A_496] {strides = array<i32>} : memref<16384xf32, #tpu.memory_space<vmem>>, vector<16xf32>,
      %select_n3A_498 = arith.select %eq3A_495, %get3A_497, %broadcast_in_dim3A_40 : vector<16xi1>, vector<16xf32>
      %reduce_sum3A_499 = arith.constant true
      %reduce_sum3A_500 = vector.broadcast %reduce_sum3A_499 : i1 to vector<16xi1>
      %reduce_sum3A_501 = tpu.scan <sum>, %select_n3A_498 masked %reduce_sum3A_500 : vector<16xf32>, vector<16xi1> -> vector<16xf32>
      %reduce_sum3A_502 = vector.extract %reduce_sum3A_501[15] : f32 from vector<16xf32>
      %get3A_503 = arith.index_cast %mul3A_492 : i32 to index
      %get3A_504 = tpu.vector_load %arg6[%get3A_503] {strides = array<i32>} : memref<16384xf32, #tpu.memory_space<vmem>>, vector<16xf32>,
      %select_n3A_505 = arith.select %eq3A_495, %get3A_504, %broadcast_in_dim3A_40 : vector<16xi1>, vector<16xf32>
      %reduce_sum3A_506 = arith.constant true
      %reduce_sum3A_507 = vector.broadcast %reduce_sum3A_506 : i1 to vector<16xi1>
      %reduce_sum3A_508 = tpu.scan <sum>, %select_n3A_505 masked %reduce_sum3A_507 : vector<16xf32>, vector<16xi1> -> vector<16xf32>
      %reduce_sum3A_509 = vector.extract %reduce_sum3A_508[15] : f32 from vector<16xf32>
      %select_n3A_510 = arith.select %and3A_461, %reduce_min3A_434, %get3A_456 : i32
      %swap3A_511 = arith.constant 0 : i32
      %swap3A_512 = arith.index_cast %swap3A_511 : i32 to index
      %swap3A_513 = memref.load %arg28[%swap3A_512] : memref<8xi32, #tpu.memory_space<smem>>
      memref.store %select_n3A_510, %arg28[%swap3A_512] : memref<8xi32, #tpu.memory_space<smem>>
      %get3A_514 = arith.constant 0 : i32
      %get3A_515 = arith.index_cast %get3A_514 : i32 to index
      %get3A_516 = memref.load %arg29[%get3A_515] : memref<16xf32, #tpu.memory_space<smem>>
      %select_n3A_517 = arith.select %and3A_461, %reduce_sum3A_502, %get3A_516 : f32
      %swap3A_518 = arith.constant 0 : i32
      %swap3A_519 = arith.index_cast %swap3A_518 : i32 to index
      %swap3A_520 = memref.load %arg29[%swap3A_519] : memref<16xf32, #tpu.memory_space<smem>>
      memref.store %select_n3A_517, %arg29[%swap3A_519] : memref<16xf32, #tpu.memory_space<smem>>
      %get3A_521 = arith.constant 1 : i32
      %get3A_522 = arith.index_cast %get3A_521 : i32 to index
      %get3A_523 = memref.load %arg29[%get3A_522] : memref<16xf32, #tpu.memory_space<smem>>
      %select_n3A_524 = arith.select %and3A_461, %reduce_sum3A_509, %get3A_523 : f32
      %swap3A_525 = arith.constant 1 : i32
      %swap3A_526 = arith.index_cast %swap3A_525 : i32 to index
      %swap3A_527 = memref.load %arg29[%swap3A_526] : memref<16xf32, #tpu.memory_space<smem>>
      memref.store %select_n3A_524, %arg29[%swap3A_526] : memref<16xf32, #tpu.memory_space<smem>>
      %get3A_528 = arith.constant 1 : i32
      %get3A_529 = arith.index_cast %get3A_528 : i32 to index
      %get3A_530 = memref.load %arg28[%get3A_529] : memref<8xi32, #tpu.memory_space<smem>>
      %ge3A_531 = arith.constant 1073741824 : i32
      %ge3A_532 = arith.cmpi sge, %get3A_530, %ge3A_531 : i32
      %lt3A_533 = arith.constant 1073741824 : i32
      %lt3A_534 = arith.cmpi slt, %min3A, %lt3A_533 : i32
      %and3A_535 = arith.andi %ge3A_532, %lt3A_534 : i1
      %sub3A_536 = arith.subi %min3A, %add3A_141 : i32
      %jit3A_537 = arith.constant 0 : i32
      %jit3A_538 = arith.constant 16383 : i32
      %max3A_539 = arith.maxsi %jit3A_537, %sub3A_536 : i32
      %min3A_540 = arith.minsi %jit3A_538, %max3A_539 : i32
      %jit3A_541 = arith.constant 16 : i32
      %div3A_542 = arith.divsi %min3A_540, %jit3A_541 : i32
      %sign3A_543 = arith.constant 0 : i32
      %sign3A_544 = arith.cmpi sgt, %min3A_540, %sign3A_543 : i32
      %sign3A_545 = arith.extui %sign3A_544 : i1 to i32
      %sign3A_546 = arith.constant 0 : i32
      %sign3A_547 = arith.cmpi slt, %min3A_540, %sign3A_546 : i32
      %sign3A_548 = arith.extui %sign3A_547 : i1 to i32
      %sign3A_549 = arith.subi %sign3A_545, %sign3A_548 : i32
      %sign3A_550 = arith.constant 0 : i32
      %sign3A_551 = arith.cmpi sgt, %jit3A_541, %sign3A_550 : i32
      %sign3A_552 = arith.extui %sign3A_551 : i1 to i32
      %sign3A_553 = arith.constant 0 : i32
      %sign3A_554 = arith.cmpi slt, %jit3A_541, %sign3A_553 : i32
      %sign3A_555 = arith.extui %sign3A_554 : i1 to i32
      %sign3A_556 = arith.subi %sign3A_552, %sign3A_555 : i32
      %ne3A_557 = arith.cmpi ne, %sign3A_549, %sign3A_556 : i32
      %rem3A_558 = arith.remsi %min3A_540, %jit3A_541 : i32
      %ne3A_559 = arith.constant 0 : i32
      %ne3A_560 = arith.cmpi ne, %rem3A_558, %ne3A_559 : i32
      %and3A_561 = arith.andi %ne3A_557, %ne3A_560 : i1
      %sub3A_562 = arith.constant 1 : i32
      %sub3A_563 = arith.subi %div3A_542, %sub3A_562 : i32
      %select_n3A_564 = arith.select %and3A_561, %sub3A_563, %div3A_542 : i32
      %mul3A_565 = arith.constant 16 : i32
      %mul3A_566 = arith.muli %select_n3A_564, %mul3A_565 : i32
      %sub3A_567 = arith.subi %min3A_540, %mul3A_566 : i32
      %eq3A_568 = vector.broadcast %sub3A_567 : i32 to vector<16xi32>
      %eq3A_569 = arith.cmpi eq, %iota3A, %eq3A_568 : vector<16xi32>
      %get3A_570 = arith.index_cast %mul3A_566 : i32 to index
      %get3A_571 = tpu.vector_load %arg5[%get3A_570] {strides = array<i32>} : memref<16384xf32, #tpu.memory_space<vmem>>, vector<16xf32>,
      %select_n3A_572 = arith.select %eq3A_569, %get3A_571, %broadcast_in_dim3A_40 : vector<16xi1>, vector<16xf32>
      %reduce_sum3A_573 = arith.constant true
      %reduce_sum3A_574 = vector.broadcast %reduce_sum3A_573 : i1 to vector<16xi1>
      %reduce_sum3A_575 = tpu.scan <sum>, %select_n3A_572 masked %reduce_sum3A_574 : vector<16xf32>, vector<16xi1> -> vector<16xf32>
      %reduce_sum3A_576 = vector.extract %reduce_sum3A_575[15] : f32 from vector<16xf32>
      %get3A_577 = arith.index_cast %mul3A_566 : i32 to index
      %get3A_578 = tpu.vector_load %arg6[%get3A_577] {strides = array<i32>} : memref<16384xf32, #tpu.memory_space<vmem>>, vector<16xf32>,
      %select_n3A_579 = arith.select %eq3A_569, %get3A_578, %broadcast_in_dim3A_40 : vector<16xi1>, vector<16xf32>
      %reduce_sum3A_580 = arith.constant true
      %reduce_sum3A_581 = vector.broadcast %reduce_sum3A_580 : i1 to vector<16xi1>
      %reduce_sum3A_582 = tpu.scan <sum>, %select_n3A_579 masked %reduce_sum3A_581 : vector<16xf32>, vector<16xi1> -> vector<16xf32>
      %reduce_sum3A_583 = vector.extract %reduce_sum3A_582[15] : f32 from vector<16xf32>
      %select_n3A_584 = arith.select %and3A_535, %min3A, %get3A_530 : i32
      %swap3A_585 = arith.constant 1 : i32
      %swap3A_586 = arith.index_cast %swap3A_585 : i32 to index
      %swap3A_587 = memref.load %arg28[%swap3A_586] : memref<8xi32, #tpu.memory_space<smem>>
      memref.store %select_n3A_584, %arg28[%swap3A_586] : memref<8xi32, #tpu.memory_space<smem>>
      %get3A_588 = arith.constant 2 : i32
      %get3A_589 = arith.index_cast %get3A_588 : i32 to index
      %get3A_590 = memref.load %arg29[%get3A_589] : memref<16xf32, #tpu.memory_space<smem>>
      %select_n3A_591 = arith.select %and3A_535, %reduce_sum3A_576, %get3A_590 : f32
      %swap3A_592 = arith.constant 2 : i32
      %swap3A_593 = arith.index_cast %swap3A_592 : i32 to index
      %swap3A_594 = memref.load %arg29[%swap3A_593] : memref<16xf32, #tpu.memory_space<smem>>
      memref.store %select_n3A_591, %arg29[%swap3A_593] : memref<16xf32, #tpu.memory_space<smem>>
      %get3A_595 = arith.constant 3 : i32
      %get3A_596 = arith.index_cast %get3A_595 : i32 to index
      %get3A_597 = memref.load %arg29[%get3A_596] : memref<16xf32, #tpu.memory_space<smem>>
      %select_n3A_598 = arith.select %and3A_535, %reduce_sum3A_583, %get3A_597 : f32
      %swap3A_599 = arith.constant 3 : i32
      %swap3A_600 = arith.index_cast %swap3A_599 : i32 to index
      %swap3A_601 = memref.load %arg29[%swap3A_600] : memref<16xf32, #tpu.memory_space<smem>>
      memref.store %select_n3A_598, %arg29[%swap3A_600] : memref<16xf32, #tpu.memory_space<smem>>
      %reduce_min3A_602 = arith.constant true
      %reduce_min3A_603 = vector.broadcast %reduce_min3A_602 : i1 to vector<16xi1>
      %reduce_min3A_604 = arith.constant -2147483648 : i32
      %reduce_min3A_605 = vector.broadcast %reduce_min3A_604 : i32 to vector<16xi32>
      %reduce_min3A_606 = arith.xori %scan3A_418#2, %reduce_min3A_605 : vector<16xi32>
      %reduce_min3A_607 = tpu.scan <min>, %reduce_min3A_606 masked %reduce_min3A_603 : vector<16xi32>, vector<16xi1> -> vector<16xi32>
      %reduce_min3A_608 = arith.xori %reduce_min3A_607, %reduce_min3A_605 : vector<16xi32>
      %reduce_min3A_609 = vector.extract %reduce_min3A_608[15] : i32 from vector<16xi32>
      %broadcast_in_dim3A_610 = vector.broadcast %reduce_min3A_609 : i32 to vector<16xi32>
      %eq3A_611 = arith.cmpi eq, %scan3A_418#2, %broadcast_in_dim3A_610 : vector<16xi32>
      %select_n3A_612 = arith.select %eq3A_611, %broadcast_in_dim3A_46, %scan3A_418#2 : vector<16xi1>, vector<16xi32>
      %reduce_min3A_613 = arith.constant true
      %reduce_min3A_614 = vector.broadcast %reduce_min3A_613 : i1 to vector<16xi1>
      %reduce_min3A_615 = arith.constant -2147483648 : i32
      %reduce_min3A_616 = vector.broadcast %reduce_min3A_615 : i32 to vector<16xi32>
      %reduce_min3A_617 = arith.xori %select_n3A_612, %reduce_min3A_616 : vector<16xi32>
      %reduce_min3A_618 = tpu.scan <min>, %reduce_min3A_617 masked %reduce_min3A_614 : vector<16xi32>, vector<16xi1> -> vector<16xi32>
      %reduce_min3A_619 = arith.xori %reduce_min3A_618, %reduce_min3A_616 : vector<16xi32>
      %reduce_min3A_620 = vector.extract %reduce_min3A_619[15] : i32 from vector<16xi32>
      %reduce_min3A_621 = arith.constant true
      %reduce_min3A_622 = vector.broadcast %reduce_min3A_621 : i1 to vector<16xi1>
      %reduce_min3A_623 = arith.constant -2147483648 : i32
      %reduce_min3A_624 = vector.broadcast %reduce_min3A_623 : i32 to vector<16xi32>
      %reduce_min3A_625 = arith.xori %scan3A_418#3, %reduce_min3A_624 : vector<16xi32>
      %reduce_min3A_626 = tpu.scan <min>, %reduce_min3A_625 masked %reduce_min3A_622 : vector<16xi32>, vector<16xi1> -> vector<16xi32>
      %reduce_min3A_627 = arith.xori %reduce_min3A_626, %reduce_min3A_624 : vector<16xi32>
      %reduce_min3A_628 = vector.extract %reduce_min3A_627[15] : i32 from vector<16xi32>
      %min3A_629 = arith.minsi %reduce_min3A_620, %reduce_min3A_628 : i32
      %get3A_630 = arith.constant 2 : i32
      %get3A_631 = arith.index_cast %get3A_630 : i32 to index
      %get3A_632 = memref.load %arg28[%get3A_631] : memref<8xi32, #tpu.memory_space<smem>>
      %ge3A_633 = arith.constant 1073741824 : i32
      %ge3A_634 = arith.cmpi sge, %get3A_632, %ge3A_633 : i32
      %lt3A_635 = arith.constant 1073741824 : i32
      %lt3A_636 = arith.cmpi slt, %reduce_min3A_609, %lt3A_635 : i32
      %and3A_637 = arith.andi %ge3A_634, %lt3A_636 : i1
      %sub3A_638 = arith.subi %reduce_min3A_609, %add3A_141 : i32
      %jit3A_639 = arith.constant 0 : i32
      %jit3A_640 = arith.constant 16383 : i32
      %max3A_641 = arith.maxsi %jit3A_639, %sub3A_638 : i32
      %min3A_642 = arith.minsi %jit3A_640, %max3A_641 : i32
      %jit3A_643 = arith.constant 16 : i32
      %div3A_644 = arith.divsi %min3A_642, %jit3A_643 : i32
      %sign3A_645 = arith.constant 0 : i32
      %sign3A_646 = arith.cmpi sgt, %min3A_642, %sign3A_645 : i32
      %sign3A_647 = arith.extui %sign3A_646 : i1 to i32
      %sign3A_648 = arith.constant 0 : i32
      %sign3A_649 = arith.cmpi slt, %min3A_642, %sign3A_648 : i32
      %sign3A_650 = arith.extui %sign3A_649 : i1 to i32
      %sign3A_651 = arith.subi %sign3A_647, %sign3A_650 : i32
      %sign3A_652 = arith.constant 0 : i32
      %sign3A_653 = arith.cmpi sgt, %jit3A_643, %sign3A_652 : i32
      %sign3A_654 = arith.extui %sign3A_653 : i1 to i32
      %sign3A_655 = arith.constant 0 : i32
      %sign3A_656 = arith.cmpi slt, %jit3A_643, %sign3A_655 : i32
      %sign3A_657 = arith.extui %sign3A_656 : i1 to i32
      %sign3A_658 = arith.subi %sign3A_654, %sign3A_657 : i32
      %ne3A_659 = arith.cmpi ne, %sign3A_651, %sign3A_658 : i32
      %rem3A_660 = arith.remsi %min3A_642, %jit3A_643 : i32
      %ne3A_661 = arith.constant 0 : i32
      %ne3A_662 = arith.cmpi ne, %rem3A_660, %ne3A_661 : i32
      %and3A_663 = arith.andi %ne3A_659, %ne3A_662 : i1
      %sub3A_664 = arith.constant 1 : i32
      %sub3A_665 = arith.subi %div3A_644, %sub3A_664 : i32
      %select_n3A_666 = arith.select %and3A_663, %sub3A_665, %div3A_644 : i32
      %mul3A_667 = arith.constant 16 : i32
      %mul3A_668 = arith.muli %select_n3A_666, %mul3A_667 : i32
      %sub3A_669 = arith.subi %min3A_642, %mul3A_668 : i32
      %eq3A_670 = vector.broadcast %sub3A_669 : i32 to vector<16xi32>
      %eq3A_671 = arith.cmpi eq, %iota3A, %eq3A_670 : vector<16xi32>
      %get3A_672 = arith.index_cast %mul3A_668 : i32 to index
      %get3A_673 = tpu.vector_load %arg5[%get3A_672] {strides = array<i32>} : memref<16384xf32, #tpu.memory_space<vmem>>, vector<16xf32>,
      %select_n3A_674 = arith.select %eq3A_671, %get3A_673, %broadcast_in_dim3A_40 : vector<16xi1>, vector<16xf32>
      %reduce_sum3A_675 = arith.constant true
      %reduce_sum3A_676 = vector.broadcast %reduce_sum3A_675 : i1 to vector<16xi1>
      %reduce_sum3A_677 = tpu.scan <sum>, %select_n3A_674 masked %reduce_sum3A_676 : vector<16xf32>, vector<16xi1> -> vector<16xf32>
      %reduce_sum3A_678 = vector.extract %reduce_sum3A_677[15] : f32 from vector<16xf32>
      %get3A_679 = arith.index_cast %mul3A_668 : i32 to index
      %get3A_680 = tpu.vector_load %arg6[%get3A_679] {strides = array<i32>} : memref<16384xf32, #tpu.memory_space<vmem>>, vector<16xf32>,
      %select_n3A_681 = arith.select %eq3A_671, %get3A_680, %broadcast_in_dim3A_40 : vector<16xi1>, vector<16xf32>
      %reduce_sum3A_682 = arith.constant true
      %reduce_sum3A_683 = vector.broadcast %reduce_sum3A_682 : i1 to vector<16xi1>
      %reduce_sum3A_684 = tpu.scan <sum>, %select_n3A_681 masked %reduce_sum3A_683 : vector<16xf32>, vector<16xi1> -> vector<16xf32>
      %reduce_sum3A_685 = vector.extract %reduce_sum3A_684[15] : f32 from vector<16xf32>
      %select_n3A_686 = arith.select %and3A_637, %reduce_min3A_609, %get3A_632 : i32
      %swap3A_687 = arith.constant 2 : i32
      %swap3A_688 = arith.index_cast %swap3A_687 : i32 to index
      %swap3A_689 = memref.load %arg28[%swap3A_688] : memref<8xi32, #tpu.memory_space<smem>>
      memref.store %select_n3A_686, %arg28[%swap3A_688] : memref<8xi32, #tpu.memory_space<smem>>
      %get3A_690 = arith.constant 4 : i32
      %get3A_691 = arith.index_cast %get3A_690 : i32 to index
      %get3A_692 = memref.load %arg29[%get3A_691] : memref<16xf32, #tpu.memory_space<smem>>
      %select_n3A_693 = arith.select %and3A_637, %reduce_sum3A_678, %get3A_692 : f32
      %swap3A_694 = arith.constant 4 : i32
      %swap3A_695 = arith.index_cast %swap3A_694 : i32 to index
      %swap3A_696 = memref.load %arg29[%swap3A_695] : memref<16xf32, #tpu.memory_space<smem>>
      memref.store %select_n3A_693, %arg29[%swap3A_695] : memref<16xf32, #tpu.memory_space<smem>>
      %get3A_697 = arith.constant 5 : i32
      %get3A_698 = arith.index_cast %get3A_697 : i32 to index
      %get3A_699 = memref.load %arg29[%get3A_698] : memref<16xf32, #tpu.memory_space<smem>>
      %select_n3A_700 = arith.select %and3A_637, %reduce_sum3A_685, %get3A_699 : f32
      %swap3A_701 = arith.constant 5 : i32
      %swap3A_702 = arith.index_cast %swap3A_701 : i32 to index
      %swap3A_703 = memref.load %arg29[%swap3A_702] : memref<16xf32, #tpu.memory_space<smem>>
      memref.store %select_n3A_700, %arg29[%swap3A_702] : memref<16xf32, #tpu.memory_space<smem>>
      %get3A_704 = arith.constant 3 : i32
      %get3A_705 = arith.index_cast %get3A_704 : i32 to index
      %get3A_706 = memref.load %arg28[%get3A_705] : memref<8xi32, #tpu.memory_space<smem>>
      %ge3A_707 = arith.constant 1073741824 : i32
      %ge3A_708 = arith.cmpi sge, %get3A_706, %ge3A_707 : i32
      %lt3A_709 = arith.constant 1073741824 : i32
      %lt3A_710 = arith.cmpi slt, %min3A_629, %lt3A_709 : i32
      %and3A_711 = arith.andi %ge3A_708, %lt3A_710 : i1
      %sub3A_712 = arith.subi %min3A_629, %add3A_141 : i32
      %jit3A_713 = arith.constant 0 : i32
      %jit3A_714 = arith.constant 16383 : i32
      %max3A_715 = arith.maxsi %jit3A_713, %sub3A_712 : i32
      %min3A_716 = arith.minsi %jit3A_714, %max3A_715 : i32
      %jit3A_717 = arith.constant 16 : i32
      %div3A_718 = arith.divsi %min3A_716, %jit3A_717 : i32
      %sign3A_719 = arith.constant 0 : i32
      %sign3A_720 = arith.cmpi sgt, %min3A_716, %sign3A_719 : i32
      %sign3A_721 = arith.extui %sign3A_720 : i1 to i32
      %sign3A_722 = arith.constant 0 : i32
      %sign3A_723 = arith.cmpi slt, %min3A_716, %sign3A_722 : i32
      %sign3A_724 = arith.extui %sign3A_723 : i1 to i32
      %sign3A_725 = arith.subi %sign3A_721, %sign3A_724 : i32
      %sign3A_726 = arith.constant 0 : i32
      %sign3A_727 = arith.cmpi sgt, %jit3A_717, %sign3A_726 : i32
      %sign3A_728 = arith.extui %sign3A_727 : i1 to i32
      %sign3A_729 = arith.constant 0 : i32
      %sign3A_730 = arith.cmpi slt, %jit3A_717, %sign3A_729 : i32
      %sign3A_731 = arith.extui %sign3A_730 : i1 to i32
      %sign3A_732 = arith.subi %sign3A_728, %sign3A_731 : i32
      %ne3A_733 = arith.cmpi ne, %sign3A_725, %sign3A_732 : i32
      %rem3A_734 = arith.remsi %min3A_716, %jit3A_717 : i32
      %ne3A_735 = arith.constant 0 : i32
      %ne3A_736 = arith.cmpi ne, %rem3A_734, %ne3A_735 : i32
      %and3A_737 = arith.andi %ne3A_733, %ne3A_736 : i1
      %sub3A_738 = arith.constant 1 : i32
      %sub3A_739 = arith.subi %div3A_718, %sub3A_738 : i32
      %select_n3A_740 = arith.select %and3A_737, %sub3A_739, %div3A_718 : i32
      %mul3A_741 = arith.constant 16 : i32
      %mul3A_742 = arith.muli %select_n3A_740, %mul3A_741 : i32
      %sub3A_743 = arith.subi %min3A_716, %mul3A_742 : i32
      %eq3A_744 = vector.broadcast %sub3A_743 : i32 to vector<16xi32>
      %eq3A_745 = arith.cmpi eq, %iota3A, %eq3A_744 : vector<16xi32>
      %get3A_746 = arith.index_cast %mul3A_742 : i32 to index
      %get3A_747 = tpu.vector_load %arg5[%get3A_746] {strides = array<i32>} : memref<16384xf32, #tpu.memory_space<vmem>>, vector<16xf32>,
      %select_n3A_748 = arith.select %eq3A_745, %get3A_747, %broadcast_in_dim3A_40 : vector<16xi1>, vector<16xf32>
      %reduce_sum3A_749 = arith.constant true
      %reduce_sum3A_750 = vector.broadcast %reduce_sum3A_749 : i1 to vector<16xi1>
      %reduce_sum3A_751 = tpu.scan <sum>, %select_n3A_748 masked %reduce_sum3A_750 : vector<16xf32>, vector<16xi1> -> vector<16xf32>
      %reduce_sum3A_752 = vector.extract %reduce_sum3A_751[15] : f32 from vector<16xf32>
      %get3A_753 = arith.index_cast %mul3A_742 : i32 to index
      %get3A_754 = tpu.vector_load %arg6[%get3A_753] {strides = array<i32>} : memref<16384xf32, #tpu.memory_space<vmem>>, vector<16xf32>,
      %select_n3A_755 = arith.select %eq3A_745, %get3A_754, %broadcast_in_dim3A_40 : vector<16xi1>, vector<16xf32>
      %reduce_sum3A_756 = arith.constant true
      %reduce_sum3A_757 = vector.broadcast %reduce_sum3A_756 : i1 to vector<16xi1>
      %reduce_sum3A_758 = tpu.scan <sum>, %select_n3A_755 masked %reduce_sum3A_757 : vector<16xf32>, vector<16xi1> -> vector<16xf32>
      %reduce_sum3A_759 = vector.extract %reduce_sum3A_758[15] : f32 from vector<16xf32>
      %select_n3A_760 = arith.select %and3A_711, %min3A_629, %get3A_706 : i32
      %swap3A_761 = arith.constant 3 : i32
      %swap3A_762 = arith.index_cast %swap3A_761 : i32 to index
      %swap3A_763 = memref.load %arg28[%swap3A_762] : memref<8xi32, #tpu.memory_space<smem>>
      memref.store %select_n3A_760, %arg28[%swap3A_762] : memref<8xi32, #tpu.memory_space<smem>>
      %get3A_764 = arith.constant 6 : i32
      %get3A_765 = arith.index_cast %get3A_764 : i32 to index
      %get3A_766 = memref.load %arg29[%get3A_765] : memref<16xf32, #tpu.memory_space<smem>>
      %select_n3A_767 = arith.select %and3A_711, %reduce_sum3A_752, %get3A_766 : f32
      %swap3A_768 = arith.constant 6 : i32
      %swap3A_769 = arith.index_cast %swap3A_768 : i32 to index
      %swap3A_770 = memref.load %arg29[%swap3A_769] : memref<16xf32, #tpu.memory_space<smem>>
      memref.store %select_n3A_767, %arg29[%swap3A_769] : memref<16xf32, #tpu.memory_space<smem>>
      %get3A_771 = arith.constant 7 : i32
      %get3A_772 = arith.index_cast %get3A_771 : i32 to index
      %get3A_773 = memref.load %arg29[%get3A_772] : memref<16xf32, #tpu.memory_space<smem>>
      %select_n3A_774 = arith.select %and3A_711, %reduce_sum3A_759, %get3A_773 : f32
      %swap3A_775 = arith.constant 7 : i32
      %swap3A_776 = arith.index_cast %swap3A_775 : i32 to index
      %swap3A_777 = memref.load %arg29[%swap3A_776] : memref<16xf32, #tpu.memory_space<smem>>
      memref.store %select_n3A_774, %arg29[%swap3A_776] : memref<16xf32, #tpu.memory_space<smem>>
    } else {
    }
    %get3A_217 = arith.constant 0 : index
    %get3A_218 = tpu.vector_load %arg15[%get3A_217] {strides = array<i32>} : memref<16xf32, #tpu.memory_space<vmem>>, vector<16xf32>,
    %reduce_max3A_219 = arith.constant true
    %reduce_max3A_220 = vector.broadcast %reduce_max3A_219 : i1 to vector<16xi1>
    %reduce_max3A_221 = tpu.scan <max>, %get3A_218 masked %reduce_max3A_220 : vector<16xf32>, vector<16xi1> -> vector<16xf32>
    %reduce_max3A_222 = vector.extract %reduce_max3A_221[15] : f32 from vector<16xf32>
    %eq3A_223 = arith.constant 0 : i32
    %eq3A_224 = vector.broadcast %eq3A_223 : i32 to vector<16xi32>
    %eq3A_225 = arith.cmpi eq, %iota3A, %eq3A_224 : vector<16xi32>
    %broadcast_in_dim3A_226 = vector.broadcast %reduce_max3A_222 : f32 to vector<16xf32>
    %select_n3A_227 = arith.select %eq3A_225, %broadcast_in_dim3A_226, %broadcast_in_dim3A_40 : vector<16xi1>, vector<16xf32>
    %get3A_228 = arith.constant 0 : index
    %get3A_229 = tpu.vector_load %arg16[%get3A_228] {strides = array<i32>} : memref<16xf32, #tpu.memory_space<vmem>>, vector<16xf32>,
    %reduce_sum3A_230 = arith.constant true
    %reduce_sum3A_231 = vector.broadcast %reduce_sum3A_230 : i1 to vector<16xi1>
    %reduce_sum3A_232 = tpu.scan <sum>, %get3A_229 masked %reduce_sum3A_231 : vector<16xf32>, vector<16xi1> -> vector<16xf32>
    %reduce_sum3A_233 = vector.extract %reduce_sum3A_232[15] : f32 from vector<16xf32>
    %eq3A_234 = arith.constant 1 : i32
    %eq3A_235 = vector.broadcast %eq3A_234 : i32 to vector<16xi32>
    %eq3A_236 = arith.cmpi eq, %iota3A, %eq3A_235 : vector<16xi32>
    %broadcast_in_dim3A_237 = vector.broadcast %reduce_sum3A_233 : f32 to vector<16xf32>
    %select_n3A_238 = arith.select %eq3A_236, %broadcast_in_dim3A_237, %select_n3A_227 : vector<16xi1>, vector<16xf32>
    %get3A_239 = arith.constant 0 : index
    %get3A_240 = tpu.vector_load %arg17[%get3A_239] {strides = array<i32>} : memref<16xf32, #tpu.memory_space<vmem>>, vector<16xf32>,
    %reduce_sum3A_241 = arith.constant true
    %reduce_sum3A_242 = vector.broadcast %reduce_sum3A_241 : i1 to vector<16xi1>
    %reduce_sum3A_243 = tpu.scan <sum>, %get3A_240 masked %reduce_sum3A_242 : vector<16xf32>, vector<16xi1> -> vector<16xf32>
    %reduce_sum3A_244 = vector.extract %reduce_sum3A_243[15] : f32 from vector<16xf32>
    %eq3A_245 = arith.constant 2 : i32
    %eq3A_246 = vector.broadcast %eq3A_245 : i32 to vector<16xi32>
    %eq3A_247 = arith.cmpi eq, %iota3A, %eq3A_246 : vector<16xi32>
    %broadcast_in_dim3A_248 = vector.broadcast %reduce_sum3A_244 : f32 to vector<16xf32>
    %select_n3A_249 = arith.select %eq3A_247, %broadcast_in_dim3A_248, %select_n3A_238 : vector<16xi1>, vector<16xf32>
    %get3A_250 = arith.constant 0 : index
    %get3A_251 = tpu.vector_load %arg18[%get3A_250] {strides = array<i32>} : memref<16xf32, #tpu.memory_space<vmem>>, vector<16xf32>,
    %reduce_sum3A_252 = arith.constant true
    %reduce_sum3A_253 = vector.broadcast %reduce_sum3A_252 : i1 to vector<16xi1>
    %reduce_sum3A_254 = tpu.scan <sum>, %get3A_251 masked %reduce_sum3A_253 : vector<16xf32>, vector<16xi1> -> vector<16xf32>
    %reduce_sum3A_255 = vector.extract %reduce_sum3A_254[15] : f32 from vector<16xf32>
    %eq3A_256 = arith.constant 3 : i32
    %eq3A_257 = vector.broadcast %eq3A_256 : i32 to vector<16xi32>
    %eq3A_258 = arith.cmpi eq, %iota3A, %eq3A_257 : vector<16xi32>
    %broadcast_in_dim3A_259 = vector.broadcast %reduce_sum3A_255 : f32 to vector<16xf32>
    %select_n3A_260 = arith.select %eq3A_258, %broadcast_in_dim3A_259, %select_n3A_249 : vector<16xi1>, vector<16xf32>
    %get3A_261 = arith.constant 0 : index
    %get3A_262 = tpu.vector_load %arg19[%get3A_261] {strides = array<i32>} : memref<16xf32, #tpu.memory_space<vmem>>, vector<16xf32>,
    %reduce_sum3A_263 = arith.constant true
    %reduce_sum3A_264 = vector.broadcast %reduce_sum3A_263 : i1 to vector<16xi1>
    %reduce_sum3A_265 = tpu.scan <sum>, %get3A_262 masked %reduce_sum3A_264 : vector<16xf32>, vector<16xi1> -> vector<16xf32>
    %reduce_sum3A_266 = vector.extract %reduce_sum3A_265[15] : f32 from vector<16xf32>
    %eq3A_267 = arith.constant 4 : i32
    %eq3A_268 = vector.broadcast %eq3A_267 : i32 to vector<16xi32>
    %eq3A_269 = arith.cmpi eq, %iota3A, %eq3A_268 : vector<16xi32>
    %broadcast_in_dim3A_270 = vector.broadcast %reduce_sum3A_266 : f32 to vector<16xf32>
    %select_n3A_271 = arith.select %eq3A_269, %broadcast_in_dim3A_270, %select_n3A_260 : vector<16xi1>, vector<16xf32>
    %get3A_272 = arith.constant 0 : index
    %get3A_273 = tpu.vector_load %arg20[%get3A_272] {strides = array<i32>} : memref<16xi32, #tpu.memory_space<vmem>>, vector<16xi32>,
    %reduce_sum3A_274 = arith.constant true
    %reduce_sum3A_275 = vector.broadcast %reduce_sum3A_274 : i1 to vector<16xi1>
    %reduce_sum3A_276 = tpu.scan <sum>, %get3A_273 masked %reduce_sum3A_275 : vector<16xi32>, vector<16xi1> -> vector<16xi32>
    %reduce_sum3A_277 = vector.extract %reduce_sum3A_276[15] : i32 from vector<16xi32>
    %convert_element_type3A_278 = arith.sitofp %reduce_sum3A_277 : i32 to f32
    %eq3A_279 = arith.constant 5 : i32
    %eq3A_280 = vector.broadcast %eq3A_279 : i32 to vector<16xi32>
    %eq3A_281 = arith.cmpi eq, %iota3A, %eq3A_280 : vector<16xi32>
    %broadcast_in_dim3A_282 = vector.broadcast %convert_element_type3A_278 : f32 to vector<16xf32>
    %select_n3A_283 = arith.select %eq3A_281, %broadcast_in_dim3A_282, %select_n3A_271 : vector<16xi1>, vector<16xf32>
    %get3A_284 = arith.constant 0 : i32
    %get3A_285 = arith.index_cast %get3A_284 : i32 to index
    %get3A_286 = memref.load %arg28[%get3A_285] : memref<8xi32, #tpu.memory_space<smem>>
    %convert_element_type3A_287 = arith.sitofp %get3A_286 : i32 to f32
    %eq3A_288 = arith.constant 8 : i32
    %eq3A_289 = vector.broadcast %eq3A_288 : i32 to vector<16xi32>
    %eq3A_290 = arith.cmpi eq, %iota3A, %eq3A_289 : vector<16xi32>
    %broadcast_in_dim3A_291 = vector.broadcast %convert_element_type3A_287 : f32 to vector<16xf32>
    %select_n3A_292 = arith.select %eq3A_290, %broadcast_in_dim3A_291, %select_n3A_283 : vector<16xi1>, vector<16xf32>
    %get3A_293 = arith.constant 1 : i32
    %get3A_294 = arith.index_cast %get3A_293 : i32 to index
    %get3A_295 = memref.load %arg28[%get3A_294] : memref<8xi32, #tpu.memory_space<smem>>
    %convert_element_type3A_296 = arith.sitofp %get3A_295 : i32 to f32
    %eq3A_297 = arith.constant 9 : i32
    %eq3A_298 = vector.broadcast %eq3A_297 : i32 to vector<16xi32>
    %eq3A_299 = arith.cmpi eq, %iota3A, %eq3A_298 : vector<16xi32>
    %broadcast_in_dim3A_300 = vector.broadcast %convert_element_type3A_296 : f32 to vector<16xf32>
    %select_n3A_301 = arith.select %eq3A_299, %broadcast_in_dim3A_300, %select_n3A_292 : vector<16xi1>, vector<16xf32>
    %get3A_302 = arith.constant 2 : i32
    %get3A_303 = arith.index_cast %get3A_302 : i32 to index
    %get3A_304 = memref.load %arg28[%get3A_303] : memref<8xi32, #tpu.memory_space<smem>>
    %convert_element_type3A_305 = arith.sitofp %get3A_304 : i32 to f32
    %eq3A_306 = arith.constant 10 : i32
    %eq3A_307 = vector.broadcast %eq3A_306 : i32 to vector<16xi32>
    %eq3A_308 = arith.cmpi eq, %iota3A, %eq3A_307 : vector<16xi32>
    %broadcast_in_dim3A_309 = vector.broadcast %convert_element_type3A_305 : f32 to vector<16xf32>
    %select_n3A_310 = arith.select %eq3A_308, %broadcast_in_dim3A_309, %select_n3A_301 : vector<16xi1>, vector<16xf32>
    %get3A_311 = arith.constant 3 : i32
    %get3A_312 = arith.index_cast %get3A_311 : i32 to index
    %get3A_313 = memref.load %arg28[%get3A_312] : memref<8xi32, #tpu.memory_space<smem>>
    %convert_element_type3A_314 = arith.sitofp %get3A_313 : i32 to f32
    %eq3A_315 = arith.constant 11 : i32
    %eq3A_316 = vector.broadcast %eq3A_315 : i32 to vector<16xi32>
    %eq3A_317 = arith.cmpi eq, %iota3A, %eq3A_316 : vector<16xi32>
    %broadcast_in_dim3A_318 = vector.broadcast %convert_element_type3A_314 : f32 to vector<16xf32>
    %select_n3A_319 = arith.select %eq3A_317, %broadcast_in_dim3A_318, %select_n3A_310 : vector<16xi1>, vector<16xf32>
    %get3A_320 = arith.constant 0 : i32
    %get3A_321 = arith.index_cast %get3A_320 : i32 to index
    %get3A_322 = memref.load %arg29[%get3A_321] : memref<16xf32, #tpu.memory_space<smem>>
    %eq3A_323 = arith.constant 0 : i32
    %eq3A_324 = vector.broadcast %eq3A_323 : i32 to vector<16xi32>
    %eq3A_325 = arith.cmpi eq, %iota3A, %eq3A_324 : vector<16xi32>
    %broadcast_in_dim3A_326 = vector.broadcast %get3A_322 : f32 to vector<16xf32>
    %select_n3A_327 = arith.select %eq3A_325, %broadcast_in_dim3A_326, %broadcast_in_dim3A_40 : vector<16xi1>, vector<16xf32>
    %get3A_328 = arith.constant 1 : i32
    %get3A_329 = arith.index_cast %get3A_328 : i32 to index
    %get3A_330 = memref.load %arg29[%get3A_329] : memref<16xf32, #tpu.memory_space<smem>>
    %eq3A_331 = arith.constant 1 : i32
    %eq3A_332 = vector.broadcast %eq3A_331 : i32 to vector<16xi32>
    %eq3A_333 = arith.cmpi eq, %iota3A, %eq3A_332 : vector<16xi32>
    %broadcast_in_dim3A_334 = vector.broadcast %get3A_330 : f32 to vector<16xf32>
    %select_n3A_335 = arith.select %eq3A_333, %broadcast_in_dim3A_334, %select_n3A_327 : vector<16xi1>, vector<16xf32>
    %get3A_336 = arith.constant 2 : i32
    %get3A_337 = arith.index_cast %get3A_336 : i32 to index
    %get3A_338 = memref.load %arg29[%get3A_337] : memref<16xf32, #tpu.memory_space<smem>>
    %eq3A_339 = arith.constant 2 : i32
    %eq3A_340 = vector.broadcast %eq3A_339 : i32 to vector<16xi32>
    %eq3A_341 = arith.cmpi eq, %iota3A, %eq3A_340 : vector<16xi32>
    %broadcast_in_dim3A_342 = vector.broadcast %get3A_338 : f32 to vector<16xf32>
    %select_n3A_343 = arith.select %eq3A_341, %broadcast_in_dim3A_342, %select_n3A_335 : vector<16xi1>, vector<16xf32>
    %get3A_344 = arith.constant 3 : i32
    %get3A_345 = arith.index_cast %get3A_344 : i32 to index
    %get3A_346 = memref.load %arg29[%get3A_345] : memref<16xf32, #tpu.memory_space<smem>>
    %eq3A_347 = arith.constant 3 : i32
    %eq3A_348 = vector.broadcast %eq3A_347 : i32 to vector<16xi32>
    %eq3A_349 = arith.cmpi eq, %iota3A, %eq3A_348 : vector<16xi32>
    %broadcast_in_dim3A_350 = vector.broadcast %get3A_346 : f32 to vector<16xf32>
    %select_n3A_351 = arith.select %eq3A_349, %broadcast_in_dim3A_350, %select_n3A_343 : vector<16xi1>, vector<16xf32>
    %get3A_352 = arith.constant 4 : i32
    %get3A_353 = arith.index_cast %get3A_352 : i32 to index
    %get3A_354 = memref.load %arg29[%get3A_353] : memref<16xf32, #tpu.memory_space<smem>>
    %eq3A_355 = arith.constant 4 : i32
    %eq3A_356 = vector.broadcast %eq3A_355 : i32 to vector<16xi32>
    %eq3A_357 = arith.cmpi eq, %iota3A, %eq3A_356 : vector<16xi32>
    %broadcast_in_dim3A_358 = vector.broadcast %get3A_354 : f32 to vector<16xf32>
    %select_n3A_359 = arith.select %eq3A_357, %broadcast_in_dim3A_358, %select_n3A_351 : vector<16xi1>, vector<16xf32>
    %get3A_360 = arith.constant 5 : i32
    %get3A_361 = arith.index_cast %get3A_360 : i32 to index
    %get3A_362 = memref.load %arg29[%get3A_361] : memref<16xf32, #tpu.memory_space<smem>>
    %eq3A_363 = arith.constant 5 : i32
    %eq3A_364 = vector.broadcast %eq3A_363 : i32 to vector<16xi32>
    %eq3A_365 = arith.cmpi eq, %iota3A, %eq3A_364 : vector<16xi32>
    %broadcast_in_dim3A_366 = vector.broadcast %get3A_362 : f32 to vector<16xf32>
    %select_n3A_367 = arith.select %eq3A_365, %broadcast_in_dim3A_366, %select_n3A_359 : vector<16xi1>, vector<16xf32>
    %get3A_368 = arith.constant 6 : i32
    %get3A_369 = arith.index_cast %get3A_368 : i32 to index
    %get3A_370 = memref.load %arg29[%get3A_369] : memref<16xf32, #tpu.memory_space<smem>>
    %eq3A_371 = arith.constant 6 : i32
    %eq3A_372 = vector.broadcast %eq3A_371 : i32 to vector<16xi32>
    %eq3A_373 = arith.cmpi eq, %iota3A, %eq3A_372 : vector<16xi32>
    %broadcast_in_dim3A_374 = vector.broadcast %get3A_370 : f32 to vector<16xf32>
    %select_n3A_375 = arith.select %eq3A_373, %broadcast_in_dim3A_374, %select_n3A_367 : vector<16xi1>, vector<16xf32>
    %get3A_376 = arith.constant 7 : i32
    %get3A_377 = arith.index_cast %get3A_376 : i32 to index
    %get3A_378 = memref.load %arg29[%get3A_377] : memref<16xf32, #tpu.memory_space<smem>>
    %eq3A_379 = arith.constant 7 : i32
    %eq3A_380 = vector.broadcast %eq3A_379 : i32 to vector<16xi32>
    %eq3A_381 = arith.cmpi eq, %iota3A, %eq3A_380 : vector<16xi32>
    %broadcast_in_dim3A_382 = vector.broadcast %get3A_378 : f32 to vector<16xf32>
    %select_n3A_383 = arith.select %eq3A_381, %broadcast_in_dim3A_382, %select_n3A_375 : vector<16xi1>, vector<16xf32>
    %get3A_384 = arith.constant 8 : i32
    %get3A_385 = arith.index_cast %get3A_384 : i32 to index
    %get3A_386 = memref.load %arg29[%get3A_385] : memref<16xf32, #tpu.memory_space<smem>>
    %eq3A_387 = arith.constant 8 : i32
    %eq3A_388 = vector.broadcast %eq3A_387 : i32 to vector<16xi32>
    %eq3A_389 = arith.cmpi eq, %iota3A, %eq3A_388 : vector<16xi32>
    %broadcast_in_dim3A_390 = vector.broadcast %get3A_386 : f32 to vector<16xf32>
    %select_n3A_391 = arith.select %eq3A_389, %broadcast_in_dim3A_390, %select_n3A_383 : vector<16xi1>, vector<16xf32>
    %get3A_392 = arith.constant 9 : i32
    %get3A_393 = arith.index_cast %get3A_392 : i32 to index
    %get3A_394 = memref.load %arg29[%get3A_393] : memref<16xf32, #tpu.memory_space<smem>>
    %eq3A_395 = arith.constant 9 : i32
    %eq3A_396 = vector.broadcast %eq3A_395 : i32 to vector<16xi32>
    %eq3A_397 = arith.cmpi eq, %iota3A, %eq3A_396 : vector<16xi32>
    %broadcast_in_dim3A_398 = vector.broadcast %get3A_394 : f32 to vector<16xf32>
    %select_n3A_399 = arith.select %eq3A_397, %broadcast_in_dim3A_398, %select_n3A_391 : vector<16xi1>, vector<16xf32>
    %swap3A_400 = arith.constant 0 : index
    %swap3A_401 = tpu.vector_load %arg21[%swap3A_400] {strides = array<i32>} : memref<32xf32, #tpu.memory_space<vmem>>, vector<16xf32>,
    tpu.vector_store %arg21[%swap3A_400], %select_n3A_319 {strides = array<i32>} : memref<32xf32, #tpu.memory_space<vmem>>, vector<16xf32>,
    %swap3A_402 = arith.constant 16 : index
    %swap3A_403 = tpu.vector_load %arg21[%swap3A_402] {strides = array<i32>} : memref<32xf32, #tpu.memory_space<vmem>>, vector<16xf32>,
    tpu.vector_store %arg21[%swap3A_402], %select_n3A_399 {strides = array<i32>} : memref<32xf32, #tpu.memory_space<vmem>>, vector<16xf32>,
    %mul3A_404 = arith.constant 32 : i32
    %mul3A_405 = arith.muli %add3A, %mul3A_404 : i32
    "tpu.region"() ({
      %run_scoped3A = tpu.sem_alloc : memref<!tpu.dma_semaphore, #tpu.memory_space<semaphore_mem>>
      %dma_start3A_406 = tpu.memref_slice %arg4[%mul3A_405] : memref<1024xf32, #tpu.memory_space<hbm>> -> memref<32xf32, #tpu.memory_space<hbm>>
      %dma_start3A_407 = tpu.memref_slice %arg4[%mul3A_405] : memref<1024xf32, #tpu.memory_space<hbm>> -> memref<32xf32, #tpu.memory_space<hbm>>
      tpu.enqueue_dma source(%arg21 : memref<32xf32, #tpu.memory_space<vmem>>) target(%dma_start3A_407 : memref<32xf32, #tpu.memory_space<hbm>>) target_semaphore(%run_scoped3A : memref<!tpu.dma_semaphore, #tpu.memory_space<semaphore_mem>>)
      %dma_wait3A_408 = tpu.memref_slice %arg4[%mul3A_405] : memref<1024xf32, #tpu.memory_space<hbm>> -> memref<32xf32, #tpu.memory_space<hbm>>
      %dma_wait3A_409 = tpu.memref_slice %arg4[%mul3A_405] : memref<1024xf32, #tpu.memory_space<hbm>> -> memref<32xf32, #tpu.memory_space<hbm>>
      tpu.wait_dma2 semaphore(%run_scoped3A : memref<!tpu.dma_semaphore, #tpu.memory_space<semaphore_mem>>) src(%arg21 : memref<32xf32, #tpu.memory_space<vmem>>) dst(%dma_wait3A_409 : memref<32xf32, #tpu.memory_space<hbm>>)
      tpu.yield
    }) : () -> ()
    return
  }
}

</mosaic_0001>

<sc_bundles>
// kernel: _sc_partials.3.cloned.1.call-start
scs
__scs_entry_jumppad:
0x0: {  	(pc) =	sbr.rel $0x88, $3  }
0x1: {  	(tag) =	ssettag $0x0;
	lr =	simm.s32 $0x1  }
0x2: {  	[smem:$0x3F9F] =	sst lr;
	_ =	strace $0xD0000000  }
0x3: {  	_ = 	snop  }
0x4: {  	_ = 	snop  }
0x5: {  	_ = 	snop  }
0x6: {  	_ = 	snop  }
0x7: {  	_ = 	snop  }
__scs_overlays_trampoline_lowered:
0x8: {  	[smem:$0x3FAE] =	sst s0  }
0x9: {  	[smem:$0x3FAF] =	sst s1  }
0xa: {  	[smem:$0x3FB0] =	sst s2  }
0xb: {  	[smem:$0x3FB1] =	sst s3  }
0xc: {  	[smem:$0x3FB2] =	sst s4  }
0xd: {  	[smem:$0x3FB3] =	sst s5  }
0xe: {  	[smem:$0x3FB4] =	sst s6  }
0xf: {  	[smem:$0x3FB5] =	sst s7  }
0x10: {  	[smem:$0x3FB6] =	sst s8  }
0x11: {  	[smem:$0x3FB7] =	sst s9;
	s0 =	simm.s32 @!p0 $0x0  }
0x12: {  	s1 =	sld [smem:$0x3F9D];
	s0 =	simm.s32 @p0 $0x1  }
0x13: {  	[smem:$0x3FB8] =	sst s0;
	s0 =	simm.s32 @!p1 $0x0  }
0x14: {  	s2 =	sld [smem:$0x3F9C];
	s0 =	simm.s32 @p1 $0x1  }
0x15: {  	[smem:$0x3FB9] =	sst s0;
	s0 =	simm.s32 @!p2 $0x0  }
0x16: {  	s3 =	sld [smem:$0x3FDB];
	s0 =	simm.s32 @p2 $0x1  }
0x17: {  	s4 =	simm.s32 $0x1BF5;
	[smem:$0x3FBB] =	sst s0  }
0x18: {  	s0 =	sld [smem:$0x3F9E];
	_ =	swait.ge [sflag:s4], $0x0  }
0x19: {  	s7 =	sld [smem:$0x3F9F]  }
0x1a: {  	s8 =	sadd.s32 $0xFFFFE003, lr  }
0x1b: {  	s9 =	sadd.s32 $0xFFFFFEF7, lr;
	s5 =	simm.s32 $0xFFFFFFFF;
	p2 =	slt.u32 s8, $0xFFFFF086  }
0x1c: {  	p1 =	slt.u32 s9, $0xF7A;
	s5 =	simm.s32 @!p2 $0x0  }
0x1d: {  	s5 =	simm.s32 @p1 $0x1;
	p0 =	seq.s32 s7, s2  }
0x1e: {  	s7 =	smul.u32 @!p0 $0xF7A, s2;
	p2 =	seq.s32 @!p0 s5, $0x0  }
0x1f: {  	s9 =	smul.u32 $0xF7A, s1;
	s8 =	simm.s32 @!p0 $0x1BF5;
	p2 =	por !p2, p0  }
0x20: {  	[sflag:s8] =	ssyncset.s32 @!p0 $0xFFFFF086;
	s6 =	sadd.s32 @!p0 s3, s7;
	s7 =	simm.s32 @!p0 $0x108  }
0x21: {  	s3 =	sadd.s32 s3, s9;
	s6 =	sadd.s32 @!p0 $0x88, s6;
	s7 =	simm.s32 @p2 $0x1082  }
0x22: {  	[simem:s7], [sflag:s8] =	dma.local @!p0 [hbm:s6], $0xF7A  }
0x23: {  	s9 =	sor.u32 $0xD0000000, s2;
	s6 =	simm.s32 $0x108;
	_ =	swait.ge @!p0 [sflag:s8], $0x0  }
0x24: {  	s3 =	sadd.s32 $0x88, s3;
	s6 =	simm.s32 @!p1 $0x1082;
	[sflag:s4] =	ssyncset.s32 $0xFFFFF086  }
0x25: {  	[simem:s6], [sflag:s4] =	dma.local [hbm:s3], $0xF7A  }
0x26: {  	[smem:$0x3F9F] =	sst s1;
	(tag) =	ssettag s2;
	_ =	strace s9  }
0x27: {  	s1 =	sld [smem:$0x3FAF]  }
0x28: {  	s2 =	sld [smem:$0x3FB0]  }
0x29: {  	s4 =	sld [smem:$0x3FB2]  }
0x2a: {  	p0 =	seq.s32 s5, $0x0;
	s5 =	sld [smem:$0x3FB3]  }
0x2b: {  	s6 =	sld [smem:$0x3FB4]  }
0x2c: {  	s7 =	sld [smem:$0x3FB5]  }
0x2d: {  	s3 =	simm.s32 $0x108;
	s8 =	sld [smem:$0x3FB6]  }
0x2e: {  	s3 =	simm.s32 @!p0 $0x1082;
	s9 =	sld [smem:$0x3FB7]  }
0x2f: {  	lr =	sadd.s32 s0, s3;
	s0 =	sld [smem:$0x3FAE]  }
0x30: {  	s3 =	sld [smem:$0x3FB1]  }
0x31: {  	[smem:$0x3FBA] =	sst s10  }
0x32: {  	s10 =	sld [smem:$0x3FB8];
	_ =	sdelay $0x3  }
0x33: {  	p0 =	seq.s32 s10, $0x1;
	s10 =	sld [smem:$0x3FBA];
	_ =	sdelay $0x3  }
0x34: {  	[smem:$0x3FBA] =	sst s10  }
0x35: {  	s10 =	sld [smem:$0x3FB9];
	_ =	sdelay $0x3  }
0x36: {  	p1 =	seq.s32 s10, $0x1;
	s10 =	sld [smem:$0x3FBA];
	_ =	sdelay $0x3  }
0x37: {  	[smem:$0x3FBA] =	sst s10  }
0x38: {  	s10 =	sld [smem:$0x3FBB]  }
0x39: {  	_ = 	snop;
	(pc) =	sbr.ind lr, $3  }
0x3a: {  	_ = 	snop  }
0x3b: {  	_ = 	snop  }
0x3c: {  	p2 =	seq.s32 s10, $0x1;
	s10 =	sld [smem:$0x3FBA]  }
0x3d: {  	_ =	shalt  }
0x3e: {  	_ =	shalt  }
0x3f: {  	_ =	shalt  }
0x40: {  	_ =	shalt  }
0x41: {  	_ =	shalt  }
0x42: {  	_ =	shalt  }
0x43: {  	_ =	shalt  }
0x44: {  	_ =	shalt  }
0x45: {  	_ =	shalt  }
0x46: {  	_ =	shalt  }
0x47: {  	_ =	shalt  }
0x48: {  	_ =	shalt  }
0x49: {  	_ =	shalt  }
0x4a: {  	_ =	shalt  }
0x4b: {  	_ =	shalt  }
0x4c: {  	_ =	shalt  }
0x4d: {  	_ =	shalt  }
0x4e: {  	_ =	shalt  }
0x4f: {  	_ =	shalt  }
0x50: {  	_ =	shalt  }
0x51: {  	_ =	shalt  }
0x52: {  	_ =	shalt  }
0x53: {  	_ =	shalt  }
0x54: {  	_ =	shalt  }
0x55: {  	_ =	shalt  }
0x56: {  	_ =	shalt  }
0x57: {  	_ =	shalt  }
0x58: {  	_ =	shalt  }
0x59: {  	_ =	shalt  }
0x5a: {  	_ =	shalt  }
0x5b: {  	_ =	shalt  }
0x5c: {  	_ =	shalt  }
0x5d: {  	_ =	shalt  }
0x5e: {  	_ =	shalt  }
0x5f: {  	_ =	shalt  }
0x60: {  	_ =	shalt  }
0x61: {  	_ =	shalt  }
0x62: {  	_ =	shalt  }
0x63: {  	_ =	shalt  }
0x64: {  	_ =	shalt  }
0x65: {  	_ =	shalt  }
0x66: {  	_ =	shalt  }
0x67: {  	_ =	shalt  }
0x68: {  	_ =	shalt  }
0x69: {  	_ =	shalt  }
0x6a: {  	_ =	shalt  }
0x6b: {  	_ =	shalt  }
0x6c: {  	_ =	shalt  }
0x6d: {  	_ =	shalt  }
0x6e: {  	_ =	shalt  }
0x6f: {  	_ =	shalt  }
0x70: {  	_ =	shalt  }
0x71: {  	_ =	shalt  }
0x72: {  	_ =	shalt  }
0x73: {  	_ =	shalt  }
0x74: {  	_ =	shalt  }
0x75: {  	_ =	shalt  }
0x76: {  	_ =	shalt  }
0x77: {  	_ =	shalt  }
0x78: {  	_ =	shalt  }
0x79: {  	_ =	shalt  }
0x7a: {  	_ =	shalt  }
0x7b: {  	_ =	shalt  }
0x7c: {  	_ =	shalt  }
0x7d: {  	_ =	shalt  }
0x7e: {  	_ =	shalt  }
0x7f: {  	_ =	shalt  }
0x80: {  	_ =	shalt  }
0x81: {  	_ =	shalt  }
0x82: {  	_ =	shalt  }
0x83: {  	_ =	shalt  }
0x84: {  	_ =	shalt  }
0x85: {  	_ =	shalt  }
0x86: {  	_ =	shalt  }
0x87: {  	_ =	shalt  }
.Lfunc_end0:
.L_simem_size_0:
called_computation_lowered:
.L_overlay_start_0:
0x88: {  	s2 =	sld [smem:$0x3FD9]  }
0x89: {  	s3 =	sld [smem:$0x3FFE];
	_ =	sdelay $0x1  }
0x8a: {  	s1 =	srdreg.scid  }
0x8b: {  	s0 =	sand.u32 $0x1, s1  }
0x8c: {  	s18 =	sshll.u32 s0, $0xA;
	s2 =	sadd.s32 s3, s2  }
0x8d: {  	s2 =	sadd.s32 s2, s18  }
0x8e: {  	[smem:$0x3FC6] =	sst s2  }
0x8f: {  	_ = 	snop  }
0x90: {  	s2 =	sld [smem:$0x3FC9]  }
0x91: {  	s19 =	sld [smem:$0x3FC8]  }
0x92: {  	s4 =	sld [smem:$0x3FD0];
	(tm) =	ssettm $0x1  }
0x93: {  	s5 =	sld [smem:$0x3FFB];
	_ =	sdelay $0x3  }
0x94: {  	_ =	strace s5  }
0x95: {  	s5 =	sld [smem:$0x3FFC];
	_ =	sdelay $0x3  }
0x96: {  	_ =	strace s5  }
0x97: {  	s5 =	sld [smem:$0x3FFD];
	_ =	sdelay $0x3  }
0x98: {  	_ =	strace s5  }
0x99: {  	_ =	strace $0x8FFFFFFF  }
0x9a: {  	s20 =	sld [smem:$0x3FDB];
	_ =	sdelay $0x1  }
0x9b: {  	s6 =	simm.s32 $_scs_section_size  }
0x9c: {  	s7 =	simm.s32 $_size__tile_overlayer_lowered;
	s8 =	simm.s32 $_tile_overlayer_lowered  }
0x9d: {  	s23 =	simm.s32 $0x1BFF;
	s22 =	sshll.u32 s8, $0x1;
	s5 =	sadd.s32 s6, s20  }
0x9e: {  	s9 =	simm.s32 $0x0;
	s21 =	sshll.u32 s7, $0x1;
	s7 =	sadd.s32 s22, s5  }
0x9f: {  	[timem:s9], [sflag:s23] =	dma.local [hbm:s7], s21  }
0xa0: {  	_ =	swait.ge [sflag:s23], s21  }
0xa1: {  	s6 =	ssub.s32 $0x0, s21;
	[sflag:s23] =	ssyncset.done $0x0  }
0xa2: {  	[sflag:s23] =	ssyncadd.s32 s6;
	_ =	sdelay $0x1  }
0xa3: {  	s24 =	simm.s32 $0x1B8B  }
0xa4: {  	_ =	swait.ge [sflag:s24], $0x1  }
0xa5: {  	[sflag:s24] =	ssyncset.done $0x0  }
0xa6: {  	s25 =	simm.s32 $0x1B8E;
	[sflag:s24] =	ssyncadd.s32 $0xFFFFFFFF  }
0xa7: {  	s26 =	simm.s32 $execute0_lowered;
	[smem:$0x3FD2] =	sst s25  }
0xa8: {  	s6 =	sshll.u32 s26, $0x1;
	_ =	strace $0x80000046;
	[dreg:$0x1] =	wrdreg $0xFFFFFFFF  }
0xa9: {  	s28 =	simm.s32 $_size_execute0_lowered;
	s5 =	sadd.s32 s5, s6;
	[dreg:$0x0] =	wrdreg $0x0  }
0xaa: {  	s6 =	sshll.u32 s28, $0x1;
	[dreg:$0x2] =	wrdreg s5  }
0xab: {  	[dreg:$0x3] =	wrdreg s6  }
0xac: {  	[dreg:$0x4] =	wrdreg $0xC0  }
0xad: {  	_ =	task [dreg:s9], $0x5FFFF  }
0xae: {  	[dreg:$0x1] =	wrdreg $0xFFFFFFFF  }
0xaf: {  	[dreg:$0x0] =	wrdreg $0x60  }
0xb0: {  	[dreg:$0x2] =	wrdreg s2  }
0xb1: {  	[dreg:$0x3] =	wrdreg s19  }
0xb2: {  	[dreg:$0x4] =	wrdreg s4  }
0xb3: {  	[dreg:$0x5] =	wrdreg $0x9  }
0xb4: {  	_ =	task.clear_ibuf [dreg:s9], $0x6FFFF;
	_ =	strace $0x90000046  }
0xb5: {  	s29 =	simm.s32 $0x9;
	_ =	strace $0x80000048  }
0xb6: {  	_ =	swait.ge [sflag:s29], $0x1  }
0xb7: {  	[sflag:s29] =	ssyncadd.s32 $0xFFFFFFFF  }
0xb8: {  	_ =	strace $0x90000048  }
0xb9: {  	_ =	sfence  }
0xba: {  	s30 =	sld [smem:$0x0];
	_ =	sdelay $0x2  }
0xbb: {  	s31 =	sshll.u32 s1, $0xD;
	s1 =	sshrl.u32 s1, $0x2  }
0xbc: {  	s3 =	sand.u32 $0x4000, s31;
	s1 =	sadd.s32 s1, s30  }
0xbd: {  	s0 =	sor.u32 s3, s0;
	s1 =	sshll.u32 s1, $0x11  }
0xbe: {  	s0 =	sor.u32 s1, s0  }
0xbf: {  	s0 =	sadd.s32 $0x8F2B, s0  }
0xc0: {  	[sflag:s0] =	ssyncadd.remote.s32 $0x1  }
0xc1: {  	_ =	sfence.sel $0xFFFF  }
0xc2: {  	[dreg:$0x0] =	wrdreg $0xFFFFFFFF;
	(pc) =	sbr.abs _section_cstart, $3  }
0xc3: {  	[dreg:$0x1] =	wrdreg $0xFFFFFFFF  }
0xc4: {  	_ =	task.clear_ibuf [dreg:s9], $0x2FFFF;
	_ =	strace $0x9FFFFFFF  }
0xc5: {  	(tm) =	ssettm $0x7FFFFFFF  }
tec
execute0_lowered:
.L_overlay_start_1:
0x0: {  	(tag) =	ssettag $0x1  }
0x1: {  	s4 =	rddreg [dreg:$0x0]  }
0x2: {  	s1 =	srdreg.scid;
	s6 =	rddreg [dreg:$0x1]  }
0x3: {  	s0 =	stileid.u32;
	s8 =	rddreg [dreg:$0x2]  }
0x4: {  	s3 =	simm.s32 $0x0;
	s13 =	simm.s32 $0x1;
	s14 =	simm.s32 $0x2  }
0x5: {  	s15 =	simm.s32 $0x3;
	s16 =	simm.s32 $0xC500;
	s17 =	simm.s32 $0x4  }
0x6: {  	s18 =	simm.s32 $0x0;
	s7 =	sand.u32 $0x1, s1;
	s1 =	rddreg [dreg:$0x3]  }
0x7: {  	v0 =	vimm.f32 $0.0e+00;
	s28 =	sshll.u32 s0, $0x1;
	s5 =	sshll.u32 s0, $0x10;
	[smem:$0x7FF] =	sst s3  }
0x8: {  	v1 =	vimm.s32 $0x0;
	v2 =	vimm.s32 $0x40000000;
	vm0 =	vmmov $0x1;
	s30 =	sshll.u32 s0, $0xF;
	s9 =	sor.u32 s7, s28;
	s5 =	sand.u32 $0x80000, s5  }
0x9: {  	vm4 =	vcmask $0x1F18;
	vm1 =	vcmask $0x330;
	v3 =	vlaneseq.u32;
	_ =	strace $0x80000047;
	s29 =	ssub.s32 $0x2, s7;
	s31 =	sshll.u32 s7, $0xE  }
0xa: {  	vm2 =	vcmask $0x730;
	vm3 =	vcmask $0xB30;
	vm5 =	vcmask $0xF30;
	s2 =	sshll.u32 s9, $0xE;
	s11 =	sshrl.u32 s29, $0x1;
	s12 =	sshll.u32 s9, $0xB  }
.Ltmp0:
0xb: {  	vm7 =	vcmask $0x300;
	vm8 =	vcmask $0x704;
	vm9 =	vcmask $0xB08;
	s9 =	sshll.u32 s9, $0x2;
	s10 =	sand.u32 $0x3C000, s2;
	(pc) =	sbr.rel .LBB2_1-.Ltmp0, $4  }
0xc: {  	vm10 =	vcmask $0xF0C;
	v4 =	vimm.s32 $0x0;
	vm1 =	vmor vm1, vm4;
	s6 =	sadd.s32 s6, s12;
	s7 =	sadd.s32 s8, s9;
	s5 =	sor.u32 s5, s10  }
0xd: {  	vm2 =	vmor vm2, vm4;
	vm3 =	vmor vm3, vm4;
	vm4 =	vmor vm5, vm4;
	s9 =	sor.u32 s31, s30;
	s12 =	simm.s32 $0x8000;
	s5 =	sshrl.u32 s5, $0x3  }
0xe: {  	vm11 =	vcmask $0x1310;
	vm12 =	vcmask $0x1714;
	v4 =	vsel vm4, $0xFFFFFFFF, v4;
	s10 =	ssub.s32 s29, s11;
	s11 =	simm.s32 $0x4000;
	s4 =	sadd.s32 s4, s5  }
0xf: {  	vm13 =	vcmask $0x1B18;
	vm14 =	vcmask $0x1F1C;
	vm15 =	vcmask $0x2320;
	[tilespmem:$0x1FFF0] =	vst v4;
	s8 =	smax.u32 s10, $0x1;
	s10 =	simm.s32 $0x40000000;
	s5 =	sadd.s32 $0x8000, s4  }
.LBB2_9:
0x10: {  	v4 =	vld [tilespmem:$0xC200]  }
0x11: {  	v5 =	vld [tilespmem:$0xC480];
	_ =	sdelay $0x3  }
0x12: {  	(xrf0) =	vmax.scan.msk.f32 $0xffff, v4  }
0x13: {  	(xrf0) =	vadd.scan.msk.s32 $0xffff, v5;
	_ =	sdelay $0x2  }
0x14: {  	v4 =	vld [tilespmem:$0xC280]  }
0x15: {  	v5 =	vld [tilespmem:$0xC300]  }
0x16: {  	v7 =	vld [tilespmem:$0xC380];
	v6, _, _ =	vpop (xrf0)  }
0x17: {  	v8 =	vld [tilespmem:$0xC400];
	v9, _, _ =	vpop (xrf0)  }
0x18: {  	(v2sf) =	vpush v9, $0xF  }
0x19: {  	(xrf2) =	vadd.scan.msk.f32 $0xffff, v4  }
0x1a: {  	(xrf2) =	vadd.scan.msk.f32 $0xffff, v5  }
0x1b: {  	(xrf2) =	vadd.scan.msk.f32 $0xffff, v7  }
0x1c: {  	(xrf2) =	vadd.scan.msk.f32 $0xffff, v8;
	_ =	sdelay $0x3  }
0x1d: {  	s21 =	sld [smem:$0x0]  }
0x1e: {  	s22 =	sld [smem:$0x1]  }
0x1f: {  	s23 =	sld [smem:$0x80]  }
0x20: {  	s24 =	sld [smem:$0x2];
	v5 =	vbroadcast v6, $0xF;
	v4, _, _ =	vpop (xrf2)  }
0x21: {  	s25 =	sld [smem:$0x81];
	v59, _, _ =	vpop (xrf2);
	v4 =	vbroadcast v4, $0xF  }
0x22: {  	s26 =	sld [smem:$0x82];
	v60 =	vmov s23;
	v5 =	vnsel vm0, $0x0, v5;
	v7, _, _ =	vpop (xrf2);
	v6 =	vbroadcast v59, $0xF  }
0x23: {  	s23 =	sld [smem:$0x83];
	v8 =	vnsel vm7, $0x0, v60;
	v4 =	vsel vm1, v5, v4;
	v5 =	vbroadcast v7, $0xF;
	v61, _, _ =	vpop (xrf2)  }
0x24: {  	s29 =	sld [smem:$0x84];
	v63 =	vsel vm8, s25, v8;
	v4 =	vsel vm2, v4, v6;
	v62 =	vbroadcast v61, $0xF;
	s28 =	spop (v2sf)  }
0x25: {  	s30 =	sld [smem:$0x85];
	v4 =	vsel vm3, v4, v5;
	v5 =	vsel vm9, s26, v63;
	s25 =	scvt.s32.f32 s28  }
0x26: {  	vm5 =	veq.s32 v3, $0x5;
	s31 =	sld [smem:$0x3];
	s21 =	scvt.s32.f32 s21;
	v4 =	vsel vm4, v4, v62;
	v5 =	vsel vm10, s23, v5  }
0x27: {  	s22 =	scvt.s32.f32 s22;
	v5 =	vsel vm11, s29, v5;
	v4 =	vsel vm5, s25, v4;
	vm5 =	veq.s32 v3, $0x8  }
0x28: {  	s29 =	sld [smem:$0x88];
	v5 =	vsel vm12, s30, v5;
	s25 =	scvt.s32.f32 s24;
	v4 =	vsel vm5, s21, v4;
	vm5 =	veq.s32 v3, $0x9  }
0x29: {  	s30 =	scvt.s32.f32 s31;
	s31 =	sld [smem:$0x89];
	v5 =	vsel vm13, s20, v5;
	v4 =	vsel vm5, s22, v4;
	vm5 =	veq.s32 v3, $0xA  }
0x2a: {  	v5 =	vsel vm14, s19, v5;
	v4 =	vsel vm5, s25, v4;
	vm5 =	veq.s32 v3, $0xB  }
0x2b: {  	s18 =	sadd.s32 $0x1, s18;
	v5 =	vsel vm15, s29, v5;
	v4 =	vsel vm5, s30, v4;
	vm5 =	vcmask $0x2724  }
0x2c: {  	p0 =	sne.s32 s18, s8;
	v5 =	vsel vm5, s31, v5;
	[tilespmem:$0xC500] =	vst v4  }
.Ltmp1:
0x2d: {  	[tilespmem:$0xC510] =	vst v5;
	(pc) =	sbr.rel @!p0 .LBB2_10-.Ltmp1, $4  }
0x2e: {  	[hbm4b:s7+s3] =	stream.linear.scatter [tilespmem:s16], [sflag:$0x4], $0x20, $0x38;
	[tilespmem:$0xC580] =	vst v63  }
0x2f: {  	_ =	swait.ge [sflag:s17], $0x20  }
0x30: {  	[sflag:s17] =	ssyncset.done $0x0  }
0x31: {  	[sflag:s17] =	ssyncadd.s32 $0xFFFFFFE0  }
.LBB2_1:
0x32: {  	[tilespmem:$0xC280] =	vst v0  }
0x33: {  	[tilespmem:$0xC300] =	vst v0  }
0x34: {  	[tilespmem:$0xC380] =	vst v0  }
0x35: {  	[tilespmem:$0xC400] =	vst v0  }
0x36: {  	[tilespmem:$0xC480] =	vst v1  }
0x37: {  	[tilespmem:$0xC000] =	vst v2  }
0x38: {  	[tilespmem:$0xC080] =	vst v2  }
0x39: {  	[smem:$0x0] =	sst s10;
	[tilespmem:$0xC100] =	vst v2  }
0x3a: {  	v4 =	vimm.f32 $-Inf;
	[tilespmem:$0xC180] =	vst v2;
	[smem:$0x1] =	sst s10  }
0x3b: {  	[tilespmem:$0xC200] =	vst v4;
	[smem:$0x2] =	sst s10  }
0x3c: {  	[tilespmem:s3], [sflag:$0x1] =	stream.linear.gather [hbm4b:s4+s3], $0x4000, $0x38;
	[tilespmem:$0xC580] =	vst v63  }
0x3d: {  	[smem:$0x3] =	sst s10  }
0x3e: {  	[smem:$0x80] =	sst s3  }
0x3f: {  	[tilespmem:s11], [sflag:$0x2] =	stream.linear.gather [hbm4b:s5+s3], $0x4000, $0x38;
	[tilespmem:$0xC580] =	vst v63  }
0x40: {  	[smem:$0x81] =	sst s3  }
0x41: {  	[smem:$0x82] =	sst s3  }
0x42: {  	[tilespmem:s12], [sflag:$0x3] =	stream.linear.gather [hbm4b:s6+s3], $0x4000, $0x38;
	[tilespmem:$0xC580] =	vst v63  }
0x43: {  	[smem:$0x83] =	sst s3  }
0x44: {  	[smem:$0x84] =	sst s3  }
0x45: {  	[smem:$0x85] =	sst s3  }
0x46: {  	[smem:$0x86] =	sst s3  }
0x47: {  	[smem:$0x87] =	sst s3  }
0x48: {  	_ =	swait.ge [sflag:s13], $0x4000  }
0x49: {  	[sflag:s13] =	ssyncset.done $0x0  }
0x4a: {  	[sflag:s13] =	ssyncadd.s32 $0xFFFFC000  }
0x4b: {  	_ =	swait.ge [sflag:s14], $0x4000  }
0x4c: {  	[sflag:s14] =	ssyncset.done $0x0  }
0x4d: {  	[sflag:s14] =	ssyncadd.s32 $0xFFFFC000  }
0x4e: {  	_ =	swait.ge [sflag:s15], $0x4000  }
0x4f: {  	[sflag:s15] =	ssyncset.done $0x0  }
0x50: {  	[sflag:s15] =	ssyncadd.s32 $0xFFFFC000  }
0x51: {  	v5 =	vld [tilespmem:$0x0]  }
0x52: {  	v6 =	vld [tilespmem:$0x4000];
	_ =	sdelay $0x3  }
0x53: {  	v5 =	vnsel vm0, $0x0, v5  }
0x54: {  	(xrf2) =	vadd.scan.msk.f32 $0xffff, v5;
	v5 =	vnsel vm0, $0x0, v6  }
0x55: {  	(xrf2) =	vadd.scan.msk.f32 $0xffff, v5;
	_ =	sdelay $0x8  }
0x56: {  	v5, _, _ =	vpop (xrf2)  }
0x57: {  	(v2sf) =	vpush v5, $0xF;
	v5, _, _ =	vpop (xrf2)  }
0x58: {  	(v2sf) =	vpush v5, $0xF;
	_ =	sdelay $0xd  }
0x59: {  	s20 =	simm.s32 $0x0;
	s19 =	spop (v2sf)  }
0x5a: {  	v6 =	vld [tilespmem:s20+$0x4000];
	[smem:$0x88] =	sst s19;
	s31 =	spop (v2sf)  }
0x5b: {  	v5 =	vld [tilespmem:s20+$0x0];
	s19 =	simm.s32 $0x40;
	[smem:$0x89] =	sst s31  }
.LBB2_2:
0x5c: {  	p0 =	sne.s32 s19, $0xFFC0  }
.Ltmp2:
0x5d: {  	_ = 	snop;
	(pc) =	sbr.rel @p0 .LBB2_2-.Ltmp2, $4  }
0x5e: {  	_ = 	snop  }
0x5f: {  	s20 =	sshra.s32 s19, $0x2  }
0x60: {  	s19 =	sadd.s32 $0x40, s19;
	v7 =	vmax.f32 v5, v6;
	v5 =	vld [tilespmem:s20+$0x0]  }
0x61: {  	v6 =	vld [tilespmem:s20+$0x4000];
	v4 =	vmax.f32 v4, v7  }
0x62: {  	_ =	sdelay $0x3  }
0x63: {  	v5 =	vmax.f32 v5, v6  }
0x64: {  	v4 =	vmax.f32 v4, v5  }
0x65: {  	(xrf0) =	vmax.scan.msk.f32 $0xffff, v4;
	_ =	sdelay $0x3  }
0x66: {  	v4 =	vld [tilespmem:$0xC200];
	_ =	sdelay $0x1  }
0x67: {  	v5, _, _ =	vpop (xrf0)  }
0x68: {  	v5 =	vbroadcast v5, $0xF;
	_ =	sdelay $0x1  }
0x69: {  	v5 =	vmax.f32 v4, v5  }
0x6a: {  	v4 =	vsub.f32 v4, v5  }
0x6b: {  	s20 =	simm.s32 $0x0;
	[tilespmem:$0xC200] =	vst v5  }
0x6c: {  	v6 =	vld [tilespmem:s20+$0x4000];
	v4 =	vmul.f32 $1.442695020e+00, v4  }
0x6d: {  	v7 =	vld [tilespmem:s20+$0x0]  }
0x6e: {  	(erf) = vpow2.f32 v4;
	_ =	sdelay $0x1  }
0x6f: {  	v8 =	vld [tilespmem:$0xC300];
	s21 =	simm.s32 $0x10  }
0x70: {  	v9 =	vld [tilespmem:s21+$0x4000];
	v4 =	vsub.f32 v6, v5  }
0x71: {  	v10 =	vld [tilespmem:s21+$0x0];
	v7 =	vsub.f32 v7, v5  }
0x72: {  	v6 =	vld [tilespmem:$0xC280];
	v4 =	vmul.f32 $1.442695020e+00, v4  }
0x73: {  	v11 =	vld [tilespmem:$0xC400];
	s19 =	simm.s32 $0x20;
	v7 =	vmul.f32 $1.442695020e+00, v7  }
0x74: {  	v12 =	vld [tilespmem:s19+$0x4000];
	(erf) = vpow2.f32 v4  }
0x75: {  	v4 =	vld [tilespmem:$0xC380];
	(erf) = vpow2.f32 v7;
	v7 =	vsub.f32 v9, v5  }
0x76: {  	v14 =	vld [tilespmem:s19+$0x0];
	v13 =	vpop (erf)  }
0x77: {  	v10 =	vsub.f32 v10, v5;
	v9 =	vld [tilespmem:s20+$0x8000];
	v16 =	vmul.f32 v13, v6;
	v6 =	vmul.f32 $1.442695020e+00, v7  }
0x78: {  	v7 =	vmul.f32 v13, v8  }
0x79: {  	v8 =	vmul.f32 $1.442695020e+00, v10;
	(erf) = vpow2.f32 v6;
	v6 =	vsub.f32 v12, v5  }
0x7a: {  	v10 =	vmul.f32 v11, v13;
	v17 =	vmul.f32 v13, v4  }
0x7b: {  	s20 =	simm.s32 $0x30;
	v11 =	vld [tilespmem:s21+$0x8000];
	(erf) = vpow2.f32 v8;
	v13 =	vmul.f32 $1.442695020e+00, v6  }
0x7c: {  	vm5 =	veq.s32 v9, $0x1;
	v9 =	vsub.f32 v14, v5;
	v12 =	vld [tilespmem:s20+$0x4000]  }
0x7d: {  	v4 =	vld [tilespmem:$0xC480];
	v8 =	vpop (erf);
	(erf) = vpow2.f32 v13  }
0x7e: {  	v15 =	vmul.f32 $1.442695020e+00, v9;
	v6 =	vsel vm5, $0x0, v8;
	v18 =	vnsel vm5, $0x0, v8;
	v14 =	vpop (erf);
	v13 =	vld [tilespmem:s20+$0x0]  }
0x7f: {  	v8 =	vadd.f32 v6, v10;
	v6 =	vsel vm5, $0x1, v1;
	v9 =	vnsel vm5, $0x0, v14  }
0x80: {  	s21 =	simm.s32 $0x100;
	v14 =	vsel vm5, $0x0, v14;
	v10 =	vadd.f32 v9, v16;
	v9 =	vadd.f32 v18, v17  }
.LBB2_4:
0x81: {  	s22 =	sshra.s32 s21, $0x2;
	p0 =	sne.s32 s21, $0xFFC0;
	s21 =	sadd.s32 $0x40, s21;
	v16 =	vsub.f32 v12, v5;
	(erf) = vpow2.f32 v15;
	v7 =	vadd.f32 v14, v7  }
.Ltmp3:
0x82: {  	v4 =	vadd.s32 v6, v4;
	v12 =	vld [tilespmem:s22+$0x4000];
	vm5 =	veq.s32 v11, $0x1;
	v14 =	vpop (erf);
	(pc) =	sbr.rel @p0 .LBB2_4-.Ltmp3, $4  }
0x83: {  	v15 =	vsub.f32 v13, v5;
	v16 =	vmul.f32 $1.442695020e+00, v16;
	v11 =	vld [tilespmem:s19+$0x8000];
	v6 =	vsel vm5, $0x0, v14;
	s19 =	smov.u32 s20;
	s20 =	smov.u32 s22  }
0x84: {  	v17 =	vnsel vm5, $0x0, v14;
	v13 =	vld [tilespmem:s20+$0x0];
	v8 =	vadd.f32 v6, v8;
	v6 =	vsel vm5, $0x1, v1;
	v14 =	vpop (erf)  }
0x85: {  	v15 =	vmul.f32 $1.442695020e+00, v15;
	(erf) = vpow2.f32 v16;
	v16 =	vnsel vm5, $0x0, v14  }
0x86: {  	v9 =	vadd.f32 v17, v9;
	v14 =	vsel vm5, $0x0, v14;
	v10 =	vadd.f32 v16, v10  }
0x87: {  	v12 =	vsub.f32 v12, v5;
	_ =	sdelay $0x1  }
0x88: {  	v5 =	vsub.f32 v13, v5;
	v12 =	vmul.f32 $1.442695020e+00, v12  }
0x89: {  	(erf) = vpow2.f32 v15  }
0x8a: {  	v5 =	vmul.f32 $1.442695020e+00, v5;
	(erf) = vpow2.f32 v12;
	_ =	sdelay $0x1  }
0x8b: {  	(erf) = vpow2.f32 v5;
	v5 =	vld [tilespmem:s19+$0x8000]  }
0x8c: {  	v47 =	vpop (erf);
	v50 =	vld [tilespmem:s20+$0x8000];
	vm5 =	veq.s32 v11, $0x1  }
0x8d: {  	v7 =	vadd.f32 v14, v7;
	v49 =	vsel vm5, $0x0, v47  }
0x8e: {  	v4 =	vadd.s32 v6, v4;
	v54 =	vsel vm5, $0x1, v1;
	v48 =	vpop (erf);
	v8 =	vadd.f32 v49, v8  }
0x8f: {  	v51 =	vnsel vm5, $0x0, v48;
	v12 =	vnsel vm5, $0x0, v47;
	v11 =	vsel vm5, $0x0, v48  }
0x90: {  	s31 =	sld [smem:$0x1];
	v10 =	vadd.f32 v51, v10;
	v9 =	vadd.f32 v12, v9;
	v52 =	vpop (erf);
	vm6 =	veq.s32 v5, $0x1  }
0x91: {  	s20 =	sld [smem:$0x3];
	v7 =	vadd.f32 v11, v7;
	vm5 =	veq.s32 v50, $0x1;
	v5 =	vpop (erf);
	v56 =	vnsel vm6, $0x0, v52  }
0x92: {  	v53 =	vnsel vm6, $0x0, v5;
	v59 =	vsel vm6, $0x0, v52;
	v55 =	vpop (erf);
	v9 =	vadd.f32 v56, v9  }
0x93: {  	p0 =	sgt.s32 s31, $0x3FFFFFFF;
	v5 =	vsel vm6, $0x0, v5;
	v8 =	vadd.f32 v59, v8;
	v61 =	vnsel vm5, $0x0, v55  }
0x94: {  	p1 =	slt.s32 @!p0 s20, $0x40000000;
	v5 =	vadd.f32 v5, v7;
	v62 =	vsel vm5, $0x0, v55;
	v57 =	vpop (erf);
	v9 =	vadd.f32 v61, v9  }
0x95: {  	p0 =	por p0, !p1;
	v10 =	vadd.f32 v53, v10;
	v6 =	vadd.f32 v62, v8;
	v60 =	vsel vm5, $0x0, v57  }
.Ltmp4:
0x96: {  	v58 =	vnsel vm5, $0x0, v57;
	v5 =	vadd.f32 v60, v5;
	[tilespmem:$0xC380] =	vst v9;
	(pc) =	sbr.rel @!p0 .LBB2_9-.Ltmp4, $4  }
0x97: {  	v4 =	vadd.s32 v54, v4;
	v63 =	vsel vm6, $0x1, v1;
	v7 =	vadd.f32 v58, v10;
	[tilespmem:$0xC400] =	vst v6  }
0x98: {  	v4 =	vadd.s32 v63, v4;
	[tilespmem:$0xC300] =	vst v5;
	v5 =	vsel vm5, $0x1, v1  }
0x99: {  	[tilespmem:$0xC280] =	vst v7;
	v4 =	vadd.s32 v5, v4  }
0x9a: {  	s20 =	simm.f32 $0.0e+00;
	s19 =	simm.f32 $0.0e+00;
	[tilespmem:$0xC480] =	vst v4  }
0x9b: {  	s19 =	simm.s32 $0x0  }
0x9c: {  	v5 =	vld [tilespmem:s19+$0x8000]  }
0x9d: {  	v6 =	vld [tilespmem:$0xC000]  }
0x9e: {  	vm4 =	vmmov vm3;
	vm3 =	vmmov vm2;
	v11 =	vld [tilespmem:$0xC100]  }
0x9f: {  	vm2 =	vmmov vm1;
	vm1 =	vmmov vm14;
	vm14 =	vmmov vm13;
	v7 =	vld [tilespmem:$0xC080]  }
0xa0: {  	vm13 =	vmmov vm12;
	vm12 =	vmmov vm11;
	vm11 =	vmmov vm10;
	v4 =	vld [tilespmem:$0xC180]  }
0xa1: {  	vm10 =	vmmov vm9;
	vm5 =	veq.s32 v5, $0x1;
	v5 =	vor.u32 s9, v3  }
0xa2: {  	vm9 =	vmmov vm8;
	s20 =	simm.s32 $0x10;
	v8 =	vnsel vm5, $0x40000000, v5;
	v5 =	vsel vm5, $0x40000000, v5  }
0xa3: {  	vm8 =	vmmov vm7;
	v10 =	vld [tilespmem:s20+$0x8000];
	vm5 =	vlt.s32 v6, v8;
	vm15 =	vlt.s32 v11, v5  }
0xa4: {  	v9 =	vsel vm5, v8, v6;
	v8 =	vsel vm5, v6, v8;
	v6 =	vsel vm15, v5, v11  }
0xa5: {  	s19 =	simm.s32 $0x80;
	s20 =	smov.u32 s9;
	v5 =	vsel vm15, v11, v5;
	vm6 =	vlt.s32 v7, v9;
	vm15 =	vlt.s32 v4, v6  }
.LBB2_7:
0xa6: {  	p0 =	sne.s32 s19, $0xFFC0  }
0xa7: {  	v7 =	vsel vm6, v7, v9;
	v4 =	vsel vm15, v4, v6;
	s20 =	sadd.s32 $0x10, s20;
	s21 =	smov.u32 s19;
	s19 =	sadd.s32 $0x40, s19  }
.Ltmp5:
0xa8: {  	s21 =	sshra.s32 s21, $0x2;
	vm5 =	veq.s32 v10, $0x1;
	v6 =	vor.u32 s20, v3;
	(pc) =	sbr.rel @p0 .LBB2_7-.Ltmp5, $4  }
0xa9: {  	v10 =	vld [tilespmem:s21+$0x8000];
	v11 =	vnsel vm5, $0x40000000, v6;
	v12 =	vsel vm5, $0x40000000, v6  }
0xaa: {  	vm5 =	vlt.s32 v8, v11;
	vm15 =	vlt.s32 v5, v12  }
0xab: {  	v9 =	vsel vm5, v11, v8;
	v8 =	vsel vm5, v8, v11;
	v6 =	vsel vm15, v12, v5  }
0xac: {  	v5 =	vsel vm15, v5, v12;
	vm6 =	vlt.s32 v7, v9;
	vm15 =	vlt.s32 v4, v6  }
0xad: {  	s19 =	sadd.s32 $0x10, s20  }
0xae: {  	vm5 =	veq.s32 v10, $0x1;
	v41 =	vor.u32 s19, v3  }
0xaf: {  	v11 =	vnsel vm5, $0x40000000, v41  }
0xb0: {  	vm7 =	vlt.s32 v8, v11  }
0xb1: {  	v12 =	vsel vm7, v8, v11  }
0xb2: {  	v13 =	vxor.u32 $0x80000000, v12  }
0xb3: {  	(xrf0) =	vmin.scan.msk.u32 $0xffff, v13;
	_ =	sdelay $0x5  }
0xb4: {  	v14, _, _ =	vpop (xrf0)  }
0xb5: {  	(v2sf) =	vpush v14, $0xF;
	_ =	sdelay $0xe  }
0xb6: {  	s24 =	spop (v2sf)  }
0xb7: {  	v7 =	vsel vm6, v7, v9;
	v42 =	vsel vm7, v11, v8;
	s20 =	sxor.u32 $0x80000000, s24  }
0xb8: {  	vm6 =	vlt.s32 v7, v42;
	vm7 =	veq.s32 v12, s20  }
0xb9: {  	v7 =	vsel vm6, v7, v42;
	v43 =	vsel vm7, $0xC0000000, v13  }
0xba: {  	v44 =	vxor.u32 $0x80000000, v7;
	(xrf0) =	vmin.scan.msk.u32 $0xffff, v43  }
0xbb: {  	(xrf0) =	vmin.scan.msk.u32 $0xffff, v44;
	_ =	sdelay $0x4  }
0xbc: {  	v45, _, _ =	vpop (xrf0)  }
0xbd: {  	(v2sf) =	vpush v45, $0xF;
	v46, _, _ =	vpop (xrf0)  }
0xbe: {  	(v2sf) =	vpush v46, $0xF;
	_ =	sdelay $0xd  }
0xbf: {  	s25 =	spop (v2sf)  }
0xc0: {  	s21 =	spop (v2sf)  }
0xc1: {  	s22 =	sxor.u32 $0x80000000, s25;
	s19 =	sxor.u32 $0x80000000, s21  }
0xc2: {  	s21 =	ssub.s32 s20, s2;
	p0 =	slt.s32 s22, s19  }
0xc3: {  	s19 =	smov.u32 @p0 s22;
	p0 =	sgt.s32 s21, $0x0  }
0xc4: {  	p1 =	slt.s32 s21, $0x1;
	s21 =	simm.s32 @!p0 $0x0;
	s22 =	ssub.s32 s19, s2  }
0xc5: {  	s21 =	smin.u32 s21, $0x3FFF;
	p2 =	sgt.s32 s22, $0x0  }
0xc6: {  	p4 =	slt.s32 s22, $0x1;
	s23 =	sand.u32 $0xF, s21;
	s22 =	simm.s32 @!p2 $0x0  }
0xc7: {  	p5 =	sne.s32 s23, $0x0;
	s22 =	smin.u32 s22, $0x3FFF  }
0xc8: {  	v47 =	vsel vm5, $0x40000000, v41;
	p1 =	por !p1, !p5;
	s26 =	sand.u32 $0xF, s22  }
0xc9: {  	vm5 =	vlt.s32 v5, v47;
	s24 =	simm.s32 $0xFFFFFFFF;
	p1 =	por !p1, !p1;
	p6 =	sne.s32 s26, $0x0  }
0xca: {  	v4 =	vsel vm15, v4, v6;
	v48 =	vsel vm5, v47, v5;
	v5 =	vsel vm5, v5, v47;
	[tilespmem:$0xC000] =	vst v12;
	s24 =	simm.s32 @!p1 $0x0;
	p0 =	por !p4, !p6  }
0xcb: {  	vm5 =	vlt.s32 v4, v48;
	[tilespmem:$0xC100] =	vst v5;
	s28 =	sshll.u32 s24, $0x4;
	p0 =	por !p0, !p0;
	s24 =	simm.s32 $0xFFFFFFFF  }
0xcc: {  	v4 =	vsel vm5, v4, v48;
	[tilespmem:$0xC080] =	vst v7;
	s23 =	sadd.s32 s21, s28;
	s24 =	simm.s32 @!p0 $0x0  }
0xcd: {  	[tilespmem:$0xC180] =	vst v4;
	s23 =	sand.u32 $0xFFFFFFF0, s23;
	s24 =	sshll.u32 s24, $0x4  }
0xce: {  	v49 =	vld [tilespmem:s23+$0x0];
	s24 =	sadd.s32 s22, s24  }
0xcf: {  	v7 =	vld [tilespmem:s23+$0x4000];
	s24 =	sand.u32 $0xFFFFFFF0, s24  }
0xd0: {  	s21 =	ssub.s32 s21, s23;
	v50 =	vld [tilespmem:s24+$0x0]  }
0xd1: {  	v51 =	vmov s21;
	v52 =	vld [tilespmem:s24+$0x4000]  }
0xd2: {  	vm5 =	veq.s32 v51, v3;
	s29 =	ssub.s32 s22, s24  }
0xd3: {  	v53 =	vmov s29;
	v6 =	vnsel vm5, $0x0, v49  }
0xd4: {  	v54 =	vnsel vm5, $0x0, v7;
	vm5 =	veq.s32 v53, v3;
	(xrf2) =	vadd.scan.msk.f32 $0xffff, v6  }
0xd5: {  	(xrf2) =	vadd.scan.msk.f32 $0xffff, v54;
	v55 =	vnsel vm5, $0x0, v50  }
0xd6: {  	v56 =	vnsel vm5, $0x0, v52;
	(xrf2) =	vadd.scan.msk.f32 $0xffff, v55  }
0xd7: {  	(xrf2) =	vadd.scan.msk.f32 $0xffff, v56;
	_ =	sdelay $0x3  }
0xd8: {  	v57 =	vxor.u32 $0x80000000, v5  }
0xd9: {  	(xrf0) =	vmin.scan.msk.u32 $0xffff, v57;
	_ =	sdelay $0x1  }
0xda: {  	v58, _, _ =	vpop (xrf2)  }
0xdb: {  	v59, _, _ =	vpop (xrf2);
	(v2sf) =	vpush v58, $0xF  }
0xdc: {  	(v2sf) =	vpush v59, $0xF;
	v60, _, _ =	vpop (xrf2)  }
0xdd: {  	(v2sf) =	vpush v60, $0xF;
	v61, _, _ =	vpop (xrf2)  }
0xde: {  	v62, _, _ =	vpop (xrf0);
	(v2sf) =	vpush v61, $0xF  }
0xdf: {  	(v2sf) =	vpush v62, $0xF;
	_ =	sdelay $0xa  }
0xe0: {  	s24 =	spop (v2sf)  }
0xe1: {  	s25 =	spop (v2sf)  }
0xe2: {  	s23 =	spop (v2sf)  }
0xe3: {  	s22 =	spop (v2sf)  }
0xe4: {  	s30 =	spop (v2sf)  }
0xe5: {  	s21 =	sxor.u32 $0x80000000, s30  }
0xe6: {  	vm5 =	veq.s32 v5, s21  }
0xe7: {  	v5 =	vsel vm5, $0xC0000000, v57  }
0xe8: {  	v4 =	vxor.u32 $0x80000000, v4;
	(xrf0) =	vmin.scan.msk.u32 $0xffff, v5  }
0xe9: {  	(xrf0) =	vmin.scan.msk.u32 $0xffff, v4;
	_ =	sdelay $0x4  }
0xea: {  	s26 =	sld [smem:$0x0];
	v4, _, _ =	vpop (xrf0)  }
0xeb: {  	(v2sf) =	vpush v4, $0xF;
	v4, _, _ =	vpop (xrf0)  }
0xec: {  	(v2sf) =	vpush v4, $0xF  }
0xed: {  	p2 =	slt.s32 s20, $0x40000000;
	p1 =	sgt.s32 s26, $0x3FFFFFFF;
	s28 =	ssub.s32 s21, s2  }
0xee: {  	p0 =	por !p2, !p1;
	p1 =	sgt.s32 s28, $0x0  }
0xef: {  	p0 =	por !p0, !p0;
	p3 =	slt.s32 s28, $0x1;
	s28 =	simm.s32 @!p1 $0x0  }
0xf0: {  	s26 =	smov.u32 @p0 s20;
	s20 =	smin.u32 s28, $0x3FFF  }
0xf1: {  	s31 =	sand.u32 $0xF, s20  }
0xf2: {  	[smem:$0x0] =	sst s26;
	p4 =	sne.s32 s31, $0x0  }
0xf3: {  	s28 =	sld [smem:$0x80];
	p1 =	por !p3, !p4  }
0xf4: {  	s26 =	simm.s32 $0xFFFFFFFF;
	p1 =	por !p1, !p1  }
0xf5: {  	s26 =	simm.s32 @!p1 $0x0  }
0xf6: {  	s28 =	smov.u32 @p0 s24;
	s29 =	sshll.u32 s26, $0x4  }
0xf7: {  	[smem:$0x80] =	sst s28;
	s24 =	sadd.s32 s20, s29  }
0xf8: {  	s26 =	sld [smem:$0x81];
	s24 =	sand.u32 $0xFFFFFFF0, s24  }
0xf9: {  	v4 =	vld [tilespmem:s24+$0x0]  }
0xfa: {  	s30 =	spop (v2sf)  }
0xfb: {  	s26 =	smov.u32 @p0 s25;
	s20 =	ssub.s32 s20, s24;
	s31 =	spop (v2sf)  }
0xfc: {  	[smem:$0x81] =	sst s26;
	v5 =	vmov s20;
	s25 =	sxor.u32 $0x80000000, s30;
	s20 =	sxor.u32 $0x80000000, s31  }
0xfd: {  	s28 =	sld [smem:$0x1];
	vm5 =	veq.s32 v5, v3;
	p0 =	slt.s32 s25, s20  }
0xfe: {  	v5 =	vld [tilespmem:s24+$0x4000];
	v4 =	vnsel vm5, $0x0, v4;
	s20 =	smov.u32 @p0 s25  }
0xff: {  	(xrf2) =	vadd.scan.msk.f32 $0xffff, v4;
	s24 =	ssub.s32 s20, s2  }
0x100: {  	p6 =	slt.s32 s19, $0x40000000;
	p5 =	sgt.s32 s28, $0x3FFFFFFF;
	p2 =	sgt.s32 s24, $0x0  }
0x101: {  	p0 =	por !p6, !p5;
	p3 =	slt.s32 s24, $0x1;
	s24 =	simm.s32 @!p2 $0x0  }
0x102: {  	p0 =	por !p0, !p0;
	s24 =	smin.u32 s24, $0x3FFF  }
0x103: {  	v4 =	vnsel vm5, $0x0, v5;
	s28 =	smov.u32 @p0 s19;
	s26 =	sand.u32 $0xF, s24  }
0x104: {  	(xrf2) =	vadd.scan.msk.f32 $0xffff, v4;
	[smem:$0x1] =	sst s28;
	p2 =	sne.s32 s26, $0x0  }
0x105: {  	s19 =	sld [smem:$0x82];
	p1 =	por !p3, !p2  }
0x106: {  	s25 =	simm.s32 $0xFFFFFFFF;
	p1 =	por !p1, !p1  }
0x107: {  	s25 =	simm.s32 @!p1 $0x0  }
0x108: {  	s19 =	smov.u32 @p0 s23;
	s29 =	sshll.u32 s25, $0x4  }
0x109: {  	v4, _, _ =	vpop (xrf2);
	[smem:$0x82] =	sst s19;
	s30 =	sadd.s32 s24, s29  }
0x10a: {  	(v2sf) =	vpush v4, $0xF;
	s23 =	sld [smem:$0x83];
	s19 =	sand.u32 $0xFFFFFFF0, s30  }
0x10b: {  	v4 =	vld [tilespmem:s19+$0x0];
	_ =	sdelay $0x1  }
0x10c: {  	s23 =	smov.u32 @p0 s22;
	s31 =	ssub.s32 s24, s19  }
0x10d: {  	v5, _, _ =	vpop (xrf2);
	[smem:$0x83] =	sst s23;
	v63 =	vmov s31  }
0x10e: {  	(v2sf) =	vpush v5, $0xF;
	s22 =	sld [smem:$0x2];
	vm5 =	veq.s32 v63, v3  }
0x10f: {  	v5 =	vld [tilespmem:s19+$0x4000];
	v4 =	vnsel vm5, $0x0, v4  }
0x110: {  	(xrf2) =	vadd.scan.msk.f32 $0xffff, v4  }
0x111: {  	p4 =	slt.s32 s21, $0x40000000;
	p3 =	sgt.s32 s22, $0x3FFFFFFF  }
0x112: {  	p0 =	por !p4, !p3  }
0x113: {  	p0 =	por !p0, !p0  }
0x114: {  	v4 =	vnsel vm5, $0x0, v5;
	s22 =	smov.u32 @p0 s21  }
0x115: {  	(xrf2) =	vadd.scan.msk.f32 $0xffff, v4;
	[smem:$0x2] =	sst s22  }
0x116: {  	s19 =	sld [smem:$0x84];
	_ =	sdelay $0x1  }
0x117: {  	s21 =	spop (v2sf)  }
0x118: {  	s19 =	smov.u32 @p0 s21  }
0x119: {  	[smem:$0x84] =	sst s19;
	v4, _, _ =	vpop (xrf2)  }
0x11a: {  	s19 =	sld [smem:$0x85];
	(v2sf) =	vpush v4, $0xF;
	_ =	sdelay $0x1  }
0x11b: {  	s21 =	spop (v2sf)  }
0x11c: {  	s19 =	smov.u32 @p0 s21  }
0x11d: {  	v4, _, _ =	vpop (xrf2);
	[smem:$0x85] =	sst s19  }
0x11e: {  	(v2sf) =	vpush v4, $0xF;
	s19 =	sld [smem:$0x3];
	_ =	sdelay $0x2  }
0x11f: {  	p6 =	slt.s32 s20, $0x40000000;
	p5 =	sgt.s32 s19, $0x3FFFFFFF  }
0x120: {  	p0 =	por !p6, !p5  }
0x121: {  	p0 =	por !p0, !p0  }
0x122: {  	s19 =	smov.u32 @p0 s20  }
0x123: {  	[smem:$0x3] =	sst s19  }
0x124: {  	s20 =	sld [smem:$0x86];
	_ =	sdelay $0x1  }
0x125: {  	s19 =	spop (v2sf)  }
0x126: {  	s20 =	smov.u32 @p0 s19  }
0x127: {  	v4 =	vld [tilespmem:$0x1FFF0];
	[smem:$0x86] =	sst s20  }
.Ltmp6:
0x128: {  	vm15 =	vcmask $0x2320;
	s19 =	sld [smem:$0x87];
	(pc) =	sbr.rel .LBB2_9-.Ltmp6, $4  }
0x129: {  	vm7 =	vmmov vm8;
	vm8 =	vmmov vm9;
	vm9 =	vmmov vm10  }
0x12a: {  	vm10 =	vmmov vm11;
	vm11 =	vmmov vm12;
	vm12 =	vmmov vm13;
	s21 =	spop (v2sf)  }
0x12b: {  	vm13 =	vmmov vm14;
	vm14 =	vmmov vm1;
	vm1 =	vmmov vm2;
	s19 =	smov.u32 @p0 s21  }
0x12c: {  	vm2 =	vmmov vm3;
	vm3 =	vmmov vm4;
	vm4 =	vnez.u8 v4;
	[smem:$0x87] =	sst s19  }
.LBB2_10:
0x12d: {  	_ =	sfence.sel $0x180000  }
0x12e: {  	[bflag:$0x0] =	sbarrier.arrive $0xFFFF  }
0x12f: {  	p0 =	sne.s32 s0, $0x0;
	_ =	strace $0x90000047  }
0x130: {  	s0 =	sadd.s32 @!p0 $0x100000, s1;
	[bflag:$0x2] =	sbarrier.arrive $0xFFFF  }
0x131: {  	[sflag:s0] =	ssyncadd.tile.s32 @!p0 $0x1;
	_ =	shalt  }
.Lfunc_end2:
_tile_overlayer_lowered:
.L_overlay_start_2:
0x132: {  	(tag) =	ssettag $0x2  }
0x133: {  	s0 =	rddreg [dreg:$0x0];
	s2 =	stileid.u32  }
0x134: {  	s1 =	rddreg [dreg:$0x1];
	p0 =	sne.s32 s2, $0x0  }
0x135: {  	s3 =	rddreg [dreg:$0x2];
	[bflag:$0x3] =	sbarrier.arrive $0xFFFF;
	s2 =	simm.s32 @!p0 $0x1C04  }
0x136: {  	[timem:s3], [sflag:s2] =	dma.local @!p0 [hbm:s0], s1  }
0x137: {  	s0 =	simm.s32 @!p0 $0x4  }
0x138: {  	_ =	swait.ge @!p0 [sflag:s0], s1  }
0x139: {  	s1 =	ssub.s32 @!p0 $0x0, s1;
	[sflag:s0] =	ssyncset.done @!p0 $0x0  }
0x13a: {  	[sflag:s0] =	ssyncadd.s32 @!p0 s1  }
0x13b: {  	[bflag:$0x3] =	sbarrier.arrive $0xFFFF  }
0x13c: {  	_ =	shalt  }

</sc_bundles>
